<compile_context>
chip_gen: v7x
topology: tpu7x:2x2x1
jax: 0.10.2.dev20260603
libtpu: 0.0.44.dev20260713+nightly
codegen_flags: <defaults>
</compile_context>

<pallas_src>
import jax
import jax.numpy as jnp
from jax.experimental import pallas as pl
from jax.experimental.pallas import tpu as pltpu
from jax.experimental.pallas import tpu_sc as plsc

B, C, H, W = 16, 3, 224, 224
P = 14
K = 8192
D = 64
GH, GW = H // P, W // P
T = GH * GW
PATCH_DIM = C * P * P
BT = B * T

ABLK = 1024
BLK = 256
NBLK = BT // BLK
KBLK = K // NBLK
GATHER_WIN = 128
GATHER_DIM = 128



def _encode_body(in_ref, we_ref, be_ref, cb_ref, enc_ref, p_ref, cbp_ref):
    x = in_ref[0]
    patches = x.transpose(1, 3, 0, 2, 4).reshape(T, PATCH_DIM)
    p_ref[0] = patches
    enc_ref[...] = jnp.dot(patches, we_ref[...],
                           preferred_element_type=jnp.float32) + be_ref[...]
    cb = cb_ref[...]
    cbp_ref[...] = jnp.concatenate([cb, jnp.zeros_like(cb)], axis=1)


def _argmin_body(enc_ref, cbt_ref, rn_ref, cbn_ref, idx_ref):
    d2 = (rn_ref[...]
          - 2.0 * jnp.dot(enc_ref[...], cbt_ref[...],
                          preferred_element_type=jnp.float32)
          + cbn_ref[...])
    m = jnp.min(d2, axis=1, keepdims=True)
    iota = jax.lax.broadcasted_iota(jnp.int32, d2.shape, 1).astype(jnp.float32)
    idx = jnp.min(jnp.where(d2 == m, iota, jnp.float32(K)), axis=1,
                  keepdims=True)
    idx_ref[...] = idx.astype(jnp.int32)


def _decode_loss_body(enc_ref, embp_ref, p_ref, wd_ref, bd_ref,
                      emb_ref, rec_ref, sse_ref, sae_ref):
    emb = embp_ref[:, :D]
    emb_ref[...] = emb
    dec = jnp.dot(emb, wd_ref[...],
                  preferred_element_type=jnp.float32) + bd_ref[...]
    rec_ref[0] = dec.reshape(GH, GW, C, P, P).transpose(2, 0, 3, 1, 4)

    @pl.when(pl.program_id(0) == 0)
    def _():
        sse_ref[...] = jnp.zeros_like(sse_ref)
        sae_ref[...] = jnp.zeros_like(sae_ref)

    diff = enc_ref[...] - emb
    sse_ref[...] += jnp.sum(diff * diff).reshape(1, 1)
    sae_ref[...] += jnp.sum(jnp.abs(dec - p_ref[0])).reshape(1, 1)


def _sc_gather(cb_pad, idx_row):
    mesh = plsc.VectorSubcoreMesh(core_axis_name="core",
                                  subcore_axis_name="subcore")

    @pl.kernel(out_type=jax.ShapeDtypeStruct((BT, GATHER_DIM), jnp.float32),
               mesh=mesh)
    def k(cb_hbm, i_hbm, o_hbm):
        def body(i_vmem, o_vmem):
            pltpu.sync_copy(cb_hbm.at[i_vmem.at[0]], o_vmem)

        pltpu.emit_pipeline(
            body,
            grid=(BT // GATHER_WIN,),
            in_specs=[pl.BlockSpec((1, GATHER_WIN), index_map=lambda i: (0, i))],
            out_specs=[pl.BlockSpec((GATHER_WIN, GATHER_DIM),
                                    index_map=lambda i: (i, 0))],
            core_axis_name=("core", "subcore"),
            dimension_semantics=(pltpu.PARALLEL,),
        )(i_hbm, o_hbm)

    return k(cb_pad, idx_row)


def kernel(inputs, W_enc, b_enc, codebook, W_dec, b_dec, commitment):
    inputs6 = inputs.reshape(B, C, GH, P, GW, P)

    enc_flat, patches3, cb_pad = pl.pallas_call(
        _encode_body,
        grid=(B,),
        in_specs=[
            pl.BlockSpec((1, C, GH, P, GW, P), lambda i: (i, 0, 0, 0, 0, 0)),
            pl.BlockSpec((PATCH_DIM, D), lambda i: (0, 0)),
            pl.BlockSpec((1, D), lambda i: (0, 0)),
            pl.BlockSpec((KBLK, D), lambda i: (i, 0)),
        ],
        out_specs=[
            pl.BlockSpec((BLK, D), lambda i: (i, 0)),
            pl.BlockSpec((1, T, PATCH_DIM), lambda i: (i, 0, 0)),
            pl.BlockSpec((KBLK, GATHER_DIM), lambda i: (i, 0)),
        ],
        out_shape=[
            jax.ShapeDtypeStruct((BT, D), jnp.float32),
            jax.ShapeDtypeStruct((B, T, PATCH_DIM), jnp.float32),
            jax.ShapeDtypeStruct((K, GATHER_DIM), jnp.float32),
        ],
    )(inputs6, W_enc, b_enc.reshape(1, D), codebook)

    rn = jnp.sum(enc_flat * enc_flat, axis=1, keepdims=True)
    cbn = jnp.sum(codebook * codebook, axis=1)[None, :]

    idx_col = pl.pallas_call(
        _argmin_body,
        grid=(BT // ABLK,),
        in_specs=[
            pl.BlockSpec((ABLK, D), lambda i: (i, 0)),
            pl.BlockSpec((D, K), lambda i: (0, 0)),
            pl.BlockSpec((ABLK, 1), lambda i: (i, 0)),
            pl.BlockSpec((1, K), lambda i: (0, 0)),
        ],
        out_specs=pl.BlockSpec((ABLK, 1), lambda i: (i, 0)),
        out_shape=jax.ShapeDtypeStruct((BT, 1), jnp.int32),
    )(enc_flat, codebook.T, rn, cbn)

    idxs = idx_col.reshape(B, T)

    emb_pad = _sc_gather(cb_pad, idx_col.reshape(1, BT))

    emb_flat, recon6, sse, sae = pl.pallas_call(
        _decode_loss_body,
        grid=(B,),
        in_specs=[
            pl.BlockSpec((BLK, D), lambda i: (i, 0)),
            pl.BlockSpec((BLK, GATHER_DIM), lambda i: (i, 0)),
            pl.BlockSpec((1, T, PATCH_DIM), lambda i: (i, 0, 0)),
            pl.BlockSpec((D, PATCH_DIM), lambda i: (0, 0)),
            pl.BlockSpec((1, PATCH_DIM), lambda i: (0, 0)),
        ],
        out_specs=[
            pl.BlockSpec((BLK, D), lambda i: (i, 0)),
            pl.BlockSpec((1, C, GH, P, GW, P), lambda i: (i, 0, 0, 0, 0, 0)),
            pl.BlockSpec((1, 1), lambda i: (0, 0)),
            pl.BlockSpec((1, 1), lambda i: (0, 0)),
        ],
        out_shape=[
            jax.ShapeDtypeStruct((BT, D), jnp.float32),
            jax.ShapeDtypeStruct((B, C, GH, P, GW, P), jnp.float32),
            jax.ShapeDtypeStruct((1, 1), jnp.float32),
            jax.ShapeDtypeStruct((1, 1), jnp.float32),
        ],
    )(enc_flat, emb_pad, patches3, W_dec, b_dec.reshape(1, PATCH_DIM))

    recon = recon6.reshape(B, C, H, W)
    total_vq_loss = sse[0, 0] / (BT * D) * (1.0 + commitment)
    recon_loss = sae[0, 0] / (B * C * H * W)
    overall = total_vq_loss + recon_loss
    embedded_pt = emb_flat.reshape(B, T, D)
    return (overall, total_vq_loss, recon_loss, recon, embedded_pt, idxs)

# --- scband reference (transcript-rebuilt; emitter-appended) ---
"""Pipeline reference for scband-vqvae-62088047231637 (READ-ONLY COPY).

The authoritative reference and input builder live on the scoring server;
editing this copy changes nothing except your own understanding.
"""

import jax, jax.numpy as jnp
import numpy as np

B, C, H, W = 16, 3, 224, 224
P = 14
K = 8192
D = 64
GH, GW = H // P, W // P
T = GH * GW
PATCH_DIM = C * P * P


def patchify(x):
    x = x.reshape(B, C, GH, P, GW, P)
    x = x.transpose(0, 2, 4, 1, 3, 5).reshape(B, T, PATCH_DIM)
    return x


def unpatchify(p):
    x = p.reshape(B, GH, GW, C, P, P)
    x = x.transpose(0, 3, 1, 4, 2, 5).reshape(B, C, H, W)
    return x


def setup_inputs(seed: int = 0):
    key = jax.random.key(seed)
    k1, k2, k3, k4 = jax.random.split(key, 4)
    inputs = jax.random.normal(k1, (B, C, H, W), dtype=jnp.float32)
    W_enc = jax.random.normal(k2, (PATCH_DIM, D), dtype=jnp.float32) * 0.02
    b_enc = jnp.zeros((D,), dtype=jnp.float32)
    codebook = jax.random.normal(k3, (K, D), dtype=jnp.float32) * 0.05
    W_dec = jax.random.normal(k4, (D, PATCH_DIM), dtype=jnp.float32) * 0.02
    b_dec = jnp.zeros((PATCH_DIM,), dtype=jnp.float32)
    return {"inputs": inputs, "W_enc": W_enc, "b_enc": b_enc, "codebook": codebook, "W_dec": W_dec, "b_dec": b_dec, "commitment": jnp.asarray(0.25, dtype=jnp.float32)}


def reference(inputs, W_enc, b_enc, codebook, W_dec, b_dec, commitment=0.25):
    # ---- encoder.encode : patchify + linear projection to code space ----
    patches = patchify(inputs)                      # [B, T, PATCH_DIM]
    encoded = patches @ W_enc + b_enc               # [B, T, D]
    # ---- encoder.vq : nearest-neighbor codebook lookup + straight-through ----
    flat = encoded.reshape(-1, D)                   # [B*T, D]
    d2 = (jnp.sum(flat * flat, axis=1, keepdims=True)
          - 2.0 * flat @ codebook.T
          + jnp.sum(codebook * codebook, axis=1)[None, :])   # [B*T, K]
    idxs = jnp.argmin(d2, axis=1).reshape(B, T)     # [B, T] int
    embedded = jnp.take(codebook, idxs.reshape(-1), axis=0).reshape(B, T, D)
    embedded_pt = encoded + jax.lax.stop_gradient(embedded - encoded)  # straight-through
    # ---- vq_loss (codebook + commitment) ----
    total_vq_loss = (jnp.mean(jnp.square(jax.lax.stop_gradient(encoded) - embedded))
                     + commitment * jnp.mean(jnp.square(encoded - jax.lax.stop_gradient(embedded))))
    # ---- decoder : linear back to patch space + unpatchify ----
    dec_patches = embedded_pt @ W_dec + b_dec       # [B, T, PATCH_DIM]
    recon = unpatchify(dec_patches)                 # [B, C, H, W]
    # target is floating point -> L1 recon loss (target detached)
    recon_loss = jnp.mean(jnp.abs(recon - jax.lax.stop_gradient(inputs)))
    overall = total_vq_loss + recon_loss
    return (overall, total_vq_loss, recon_loss, recon, embedded_pt, idxs)

if __name__ == "__main__":
    import jax
    _d = setup_inputs()
    print(jax.jit(kernel)(*tuple(_d.values())))

</pallas_src>

<mosaic_0001>
#map = affine_map<(d0, d1) -> (0, 0)>
module attributes {stable_mosaic.version = 14 : i64} {
  func.func @k(%arg0: i32, %arg1: i32, %arg2: memref<8192x128xf32, #tpu.memory_space<hbm>>, %arg3: memref<1x4096xi32, #tpu.memory_space<hbm>>, %arg4: memref<4096x128xf32, #tpu.memory_space<hbm>>) attributes {dimension_semantics = [#tpu.dimension_semantics<core_parallel>, #tpu.dimension_semantics<subcore_parallel>], iteration_bounds = array<i64: 2, 16>, scalar_prefetch = 0 : i64, scratch_operands = 0 : i64, tpu.core_type = #tpu.core_type<sc_vector_subcore>, window_params = [{transform_indices = #map}, {transform_indices = #map}, {transform_indices = #map}]} {
    %mul3A = arith.constant 1 : i32
    %mul3A_0 = arith.muli %arg1, %mul3A : i32
    %add3A = arith.constant 0 : i32
    %add3A_1 = arith.addi %add3A, %mul3A_0 : i32
    %mul3A_2 = arith.constant 16 : i32
    %mul3A_3 = arith.muli %arg0, %mul3A_2 : i32
    %add3A_4 = arith.addi %add3A_1, %mul3A_3 : i32
    %mul3A_5 = arith.constant 1 : i32
    %mul3A_6 = arith.muli %add3A_4, %mul3A_5 : i32
    "tpu.region"() ({
      %run_scoped3A = memref.alloca() : memref<2x1x128xi32, #tpu.memory_space<vmem>>
      %run_scoped3A_7 = tpu.sem_alloc : memref<2x!tpu.dma_semaphore, #tpu.memory_space<semaphore_mem>>
      %run_scoped3A_8 = memref.alloca() : memref<2x128x128xf32, #tpu.memory_space<vmem>>
      %run_scoped3A_9 = tpu.sem_alloc : memref<2x!tpu.dma_semaphore, #tpu.memory_space<semaphore_mem>>
      %add3A_10 = arith.constant 0 : i32
      %add3A_11 = arith.addi %add3A_10, %mul3A_6 : i32
      %select_n3A = arith.constant true
      %select_n3A_12 = arith.constant 0 : i32
      %select_n3A_13 = arith.constant -1 : i32
      %select_n3A_14 = arith.select %select_n3A, %select_n3A_13, %select_n3A_12 : i32
      %eq3A = arith.constant -1 : i32
      %eq3A_15 = arith.cmpi eq, %select_n3A_14, %eq3A : i32
      %select_n3A_16 = arith.constant 0 : i32
      %select_n3A_17 = arith.select %eq3A_15, %select_n3A_16, %select_n3A_14 : i32
      %add3A_18 = arith.constant 0 : i32
      %add3A_19 = arith.addi %add3A_18, %mul3A_6 : i32
      %select_n3A_20 = arith.constant true
      %select_n3A_21 = arith.constant 0 : i32
      %select_n3A_22 = arith.constant 1 : i32
      %select_n3A_23 = arith.select %select_n3A_20, %select_n3A_22, %select_n3A_21 : i32
      %eq3A_24 = arith.constant 1 : i32
      %eq3A_25 = arith.cmpi eq, %select_n3A_23, %eq3A_24 : i32
      %select_n3A_26 = arith.constant 0 : i32
      %select_n3A_27 = arith.select %eq3A_25, %select_n3A_26, %select_n3A_23 : i32
      %add3A_28 = arith.constant 0 : i32
      %add3A_29 = arith.addi %add3A_28, %mul3A_6 : i32
      %select_n3A_30 = arith.constant true
      %select_n3A_31 = arith.constant 0 : i32
      %select_n3A_32 = arith.constant 1 : i32
      %select_n3A_33 = arith.select %select_n3A_30, %select_n3A_32, %select_n3A_31 : i32
      %eq3A_34 = arith.constant 1 : i32
      %eq3A_35 = arith.cmpi eq, %select_n3A_33, %eq3A_34 : i32
      %select_n3A_36 = arith.constant 0 : i32
      %select_n3A_37 = arith.select %eq3A_35, %select_n3A_36, %select_n3A_33 : i32
      %add3A_38 = arith.constant 0 : i32
      %add3A_39 = arith.addi %add3A_38, %mul3A_6 : i32
      "tpu.trace_start"() <{level = 10 : i32, message = "ep_initialize_0"}> : () -> ()
      %rem3A = arith.constant 0 : i32
      %rem3A_40 = arith.constant 2 : i32
      %rem3A_41 = arith.remui %rem3A, %rem3A_40 : i32
      %mul3A_42 = arith.constant 128 : i32
      %mul3A_43 = arith.muli %mul3A_42, %add3A_11 : i32
      %dma_start3A = arith.constant 0 : i32
      %dma_start3A_44 = arith.constant 0 : i32
      %dma_start3A_45 = tpu.memref_slice %run_scoped3A[%rem3A_41, %dma_start3A, %dma_start3A_44] : memref<2x1x128xi32, #tpu.memory_space<vmem>> -> memref<1x1x128xi32, #tpu.memory_space<vmem>>
      %dma_start3A_46 = tpu.memref_squeeze %dma_start3A_45 : memref<1x1x128xi32, #tpu.memory_space<vmem>> -> memref<1x128xi32, #tpu.memory_space<vmem>>
      %dma_start3A_47 = arith.constant 0 : i32
      %dma_start3A_48 = tpu.memref_slice %arg3[%dma_start3A_47, %mul3A_43] : memref<1x4096xi32, #tpu.memory_space<hbm>> -> memref<1x128xi32, #tpu.memory_space<hbm>>
      %dma_start3A_49 = tpu.memref_slice %run_scoped3A_7[%rem3A_41] : memref<2x!tpu.dma_semaphore, #tpu.memory_space<semaphore_mem>> -> memref<1x!tpu.dma_semaphore, #tpu.memory_space<semaphore_mem>>
      %dma_start3A_50 = tpu.memref_squeeze %dma_start3A_49 : memref<1x!tpu.dma_semaphore, #tpu.memory_space<semaphore_mem>> -> memref<!tpu.dma_semaphore, #tpu.memory_space<semaphore_mem>>
      %dma_start3A_51 = arith.constant 0 : i32
      %dma_start3A_52 = arith.constant 0 : i32
      %dma_start3A_53 = tpu.memref_slice %run_scoped3A[%rem3A_41, %dma_start3A_51, %dma_start3A_52] : memref<2x1x128xi32, #tpu.memory_space<vmem>> -> memref<1x1x128xi32, #tpu.memory_space<vmem>>
      %dma_start3A_54 = tpu.memref_squeeze %dma_start3A_53 : memref<1x1x128xi32, #tpu.memory_space<vmem>> -> memref<1x128xi32, #tpu.memory_space<vmem>>
      %dma_start3A_55 = arith.constant 0 : i32
      %dma_start3A_56 = tpu.memref_slice %arg3[%dma_start3A_55, %mul3A_43] : memref<1x4096xi32, #tpu.memory_space<hbm>> -> memref<1x128xi32, #tpu.memory_space<hbm>>
      tpu.enqueue_dma source(%dma_start3A_56 : memref<1x128xi32, #tpu.memory_space<hbm>>) target(%dma_start3A_54 : memref<1x128xi32, #tpu.memory_space<vmem>>) target_semaphore(%dma_start3A_50 : memref<!tpu.dma_semaphore, #tpu.memory_space<semaphore_mem>>)
      %add3A_57 = arith.constant 0 : i32
      %add3A_58 = arith.constant 1 : i32
      %add3A_59 = arith.addi %add3A_57, %add3A_58 : i32
      %select_n3A_60 = arith.constant true
      %select_n3A_61 = arith.constant 0 : i32
      %select_n3A_62 = arith.select %select_n3A_60, %add3A_59, %select_n3A_61 : i32
      "tpu.trace_stop"() : () -> ()
      %scan3A = arith.constant 0 : i32
      %scan3A_63 = arith.constant 0 : i32
      %scan3A_64 = arith.constant 0 : i32
      %scan3A_65 = arith.constant 0 : i32
      %scan3A_66 = arith.constant 0 : i32
      %eq3A_67 = arith.constant 0 : i32
      %eq3A_68 = arith.cmpi eq, %scan3A_66, %eq3A_67 : i32
      %eq3A_69 = arith.constant 0 : i32
      %eq3A_70 = arith.cmpi eq, %scan3A_66, %eq3A_69 : i32
      %add3A_71 = arith.constant 0 : i32
      %add3A_72 = arith.addi %add3A_71, %mul3A_6 : i32
      %select_n3A_73 = arith.constant true
      %select_n3A_74 = arith.constant 0 : i32
      %select_n3A_75 = arith.constant -1 : i32
      %select_n3A_76 = arith.select %select_n3A_73, %select_n3A_75, %select_n3A_74 : i32
      %eq3A_77 = arith.constant -1 : i32
      %eq3A_78 = arith.cmpi eq, %select_n3A_76, %eq3A_77 : i32
      %select_n3A_79 = arith.constant 0 : i32
      %select_n3A_80 = arith.select %eq3A_78, %select_n3A_79, %select_n3A_76 : i32
      %add3A_81 = arith.constant 0 : i32
      %add3A_82 = arith.addi %add3A_81, %mul3A_6 : i32
      %select_n3A_83 = arith.constant true
      %select_n3A_84 = arith.constant 0 : i32
      %select_n3A_85 = arith.constant 1 : i32
      %select_n3A_86 = arith.select %select_n3A_83, %select_n3A_85, %select_n3A_84 : i32
      %eq3A_87 = arith.constant 1 : i32
      %eq3A_88 = arith.cmpi eq, %select_n3A_86, %eq3A_87 : i32
      %select_n3A_89 = arith.constant 0 : i32
      %select_n3A_90 = arith.select %eq3A_88, %select_n3A_89, %select_n3A_86 : i32
      %add3A_91 = arith.constant 0 : i32
      %add3A_92 = arith.addi %add3A_91, %mul3A_6 : i32
      %select_n3A_93 = arith.constant true
      %select_n3A_94 = arith.constant 0 : i32
      %select_n3A_95 = arith.constant 1 : i32
      %select_n3A_96 = arith.select %select_n3A_93, %select_n3A_95, %select_n3A_94 : i32
      %eq3A_97 = arith.constant 1 : i32
      %eq3A_98 = arith.cmpi eq, %select_n3A_96, %eq3A_97 : i32
      %select_n3A_99 = arith.constant 0 : i32
      %select_n3A_100 = arith.select %eq3A_98, %select_n3A_99, %select_n3A_96 : i32
      %add3A_101 = arith.constant 0 : i32
      %add3A_102 = arith.addi %add3A_101, %mul3A_6 : i32
      %ne3A = arith.cmpi ne, %add3A_72, %add3A_92 : i32
      %or3A = arith.constant false
      %or3A_103 = arith.ori %or3A, %ne3A : i1
      %ge3A = arith.constant 0 : i32
      %ge3A_104 = arith.cmpi sge, %scan3A_66, %ge3A : i32
      %not3A = arith.constant true
      %not3A_105 = arith.xori %ge3A_104, %not3A : i1
      %and3A = arith.andi %or3A_103, %not3A_105 : i1
      %convert_element_type3A = arith.extui %and3A : i1 to i32
      %cond3A = arith.constant 0 : i32
      %cond3A_106 = arith.cmpi ne, %convert_element_type3A, %cond3A : i32
      scf.if %cond3A_106 {
        "tpu.trace_start"() <{level = 10 : i32, message = "ep_copy_in"}> : () -> ()
        %rem3A_266 = arith.constant 2 : i32
        %rem3A_267 = arith.remui %select_n3A_62, %rem3A_266 : i32
        %mul3A_268 = arith.constant 128 : i32
        %mul3A_269 = arith.muli %mul3A_268, %add3A_92 : i32
        %dma_start3A_270 = arith.constant 0 : i32
        %dma_start3A_271 = arith.constant 0 : i32
        %dma_start3A_272 = tpu.memref_slice %run_scoped3A[%rem3A_267, %dma_start3A_270, %dma_start3A_271] : memref<2x1x128xi32, #tpu.memory_space<vmem>> -> memref<1x1x128xi32, #tpu.memory_space<vmem>>
        %dma_start3A_273 = tpu.memref_squeeze %dma_start3A_272 : memref<1x1x128xi32, #tpu.memory_space<vmem>> -> memref<1x128xi32, #tpu.memory_space<vmem>>
        %dma_start3A_274 = arith.constant 0 : i32
        %dma_start3A_275 = tpu.memref_slice %arg3[%dma_start3A_274, %mul3A_269] : memref<1x4096xi32, #tpu.memory_space<hbm>> -> memref<1x128xi32, #tpu.memory_space<hbm>>
        %dma_start3A_276 = tpu.memref_slice %run_scoped3A_7[%rem3A_267] : memref<2x!tpu.dma_semaphore, #tpu.memory_space<semaphore_mem>> -> memref<1x!tpu.dma_semaphore, #tpu.memory_space<semaphore_mem>>
        %dma_start3A_277 = tpu.memref_squeeze %dma_start3A_276 : memref<1x!tpu.dma_semaphore, #tpu.memory_space<semaphore_mem>> -> memref<!tpu.dma_semaphore, #tpu.memory_space<semaphore_mem>>
        %dma_start3A_278 = arith.constant 0 : i32
        %dma_start3A_279 = arith.constant 0 : i32
        %dma_start3A_280 = tpu.memref_slice %run_scoped3A[%rem3A_267, %dma_start3A_278, %dma_start3A_279] : memref<2x1x128xi32, #tpu.memory_space<vmem>> -> memref<1x1x128xi32, #tpu.memory_space<vmem>>
        %dma_start3A_281 = tpu.memref_squeeze %dma_start3A_280 : memref<1x1x128xi32, #tpu.memory_space<vmem>> -> memref<1x128xi32, #tpu.memory_space<vmem>>
        %dma_start3A_282 = arith.constant 0 : i32
        %dma_start3A_283 = tpu.memref_slice %arg3[%dma_start3A_282, %mul3A_269] : memref<1x4096xi32, #tpu.memory_space<hbm>> -> memref<1x128xi32, #tpu.memory_space<hbm>>
        tpu.enqueue_dma source(%dma_start3A_283 : memref<1x128xi32, #tpu.memory_space<hbm>>) target(%dma_start3A_281 : memref<1x128xi32, #tpu.memory_space<vmem>>) target_semaphore(%dma_start3A_277 : memref<!tpu.dma_semaphore, #tpu.memory_space<semaphore_mem>>)
        "tpu.trace_stop"() : () -> ()
      } else {
      }
      %and3A_107 = arith.constant true
      %and3A_108 = arith.andi %and3A, %and3A_107 : i1
      %add3A_109 = arith.constant 1 : i32
      %add3A_110 = arith.addi %select_n3A_62, %add3A_109 : i32
      %select_n3A_111 = arith.select %and3A_108, %add3A_110, %select_n3A_62 : i32
      %ne3A_112 = arith.cmpi ne, %add3A_72, %add3A_92 : i32
      %or3A_113 = arith.constant false
      %or3A_114 = arith.ori %or3A_113, %ne3A_112 : i1
      %or3A_115 = arith.constant false
      %or3A_116 = arith.ori %or3A_114, %or3A_115 : i1
      %ge3A_117 = arith.constant 0 : i32
      %ge3A_118 = arith.cmpi sge, %scan3A_66, %ge3A_117 : i32
      %not3A_119 = arith.constant true
      %not3A_120 = arith.xori %ge3A_118, %not3A_119 : i1
      %and3A_121 = arith.andi %or3A_116, %not3A_120 : i1
      %ne3A_122 = arith.cmpi ne, %add3A_72, %add3A_82 : i32
      %or3A_123 = arith.constant false
      %or3A_124 = arith.ori %or3A_123, %ne3A_122 : i1
      %or3A_125 = arith.ori %or3A_124, %eq3A_68 : i1
      %convert_element_type3A_126 = arith.extui %or3A_125 : i1 to i32
      %cond3A_127 = arith.constant 0 : i32
      %cond3A_128 = arith.cmpi ne, %convert_element_type3A_126, %cond3A_127 : i32
      scf.if %cond3A_128 {
        "tpu.trace_start"() <{level = 10 : i32, message = "ep_wait_in"}> : () -> ()
        %mul3A_266 = arith.constant 128 : i32
        %mul3A_267 = arith.muli %mul3A_266, %add3A_72 : i32
        %rem3A_268 = arith.constant 2 : i32
        %rem3A_269 = arith.remui %scan3A, %rem3A_268 : i32
        %dma_wait3A_270 = arith.constant 0 : i32
        %dma_wait3A_271 = arith.constant 0 : i32
        %dma_wait3A_272 = tpu.memref_slice %run_scoped3A[%rem3A_269, %dma_wait3A_270, %dma_wait3A_271] : memref<2x1x128xi32, #tpu.memory_space<vmem>> -> memref<1x1x128xi32, #tpu.memory_space<vmem>>
        %dma_wait3A_273 = tpu.memref_squeeze %dma_wait3A_272 : memref<1x1x128xi32, #tpu.memory_space<vmem>> -> memref<1x128xi32, #tpu.memory_space<vmem>>
        %dma_wait3A_274 = arith.constant 0 : i32
        %dma_wait3A_275 = tpu.memref_slice %arg3[%dma_wait3A_274, %mul3A_267] : memref<1x4096xi32, #tpu.memory_space<hbm>> -> memref<1x128xi32, #tpu.memory_space<hbm>>
        %dma_wait3A_276 = tpu.memref_slice %run_scoped3A_7[%rem3A_269] : memref<2x!tpu.dma_semaphore, #tpu.memory_space<semaphore_mem>> -> memref<1x!tpu.dma_semaphore, #tpu.memory_space<semaphore_mem>>
        %dma_wait3A_277 = tpu.memref_squeeze %dma_wait3A_276 : memref<1x!tpu.dma_semaphore, #tpu.memory_space<semaphore_mem>> -> memref<!tpu.dma_semaphore, #tpu.memory_space<semaphore_mem>>
        %dma_wait3A_278 = arith.constant 0 : i32
        %dma_wait3A_279 = arith.constant 0 : i32
        %dma_wait3A_280 = tpu.memref_slice %run_scoped3A[%rem3A_269, %dma_wait3A_278, %dma_wait3A_279] : memref<2x1x128xi32, #tpu.memory_space<vmem>> -> memref<1x1x128xi32, #tpu.memory_space<vmem>>
        %dma_wait3A_281 = tpu.memref_squeeze %dma_wait3A_280 : memref<1x1x128xi32, #tpu.memory_space<vmem>> -> memref<1x128xi32, #tpu.memory_space<vmem>>
        %dma_wait3A_282 = arith.constant 0 : i32
        %dma_wait3A_283 = tpu.memref_slice %arg3[%dma_wait3A_282, %mul3A_267] : memref<1x4096xi32, #tpu.memory_space<hbm>> -> memref<1x128xi32, #tpu.memory_space<hbm>>
        tpu.wait_dma2 semaphore(%dma_wait3A_277 : memref<!tpu.dma_semaphore, #tpu.memory_space<semaphore_mem>>) src(%dma_wait3A_283 : memref<1x128xi32, #tpu.memory_space<hbm>>) dst(%dma_wait3A_281 : memref<1x128xi32, #tpu.memory_space<vmem>>)
        "tpu.trace_stop"() : () -> ()
      } else {
      }
      %ne3A_129 = arith.cmpi ne, %add3A_72, %add3A_82 : i32
      %or3A_130 = arith.constant false
      %or3A_131 = arith.ori %or3A_130, %ne3A_129 : i1
      %or3A_132 = arith.constant false
      %or3A_133 = arith.ori %or3A_131, %or3A_132 : i1
      %or3A_134 = arith.ori %or3A_133, %eq3A_68 : i1
      %convert_element_type3A_135 = arith.extui %or3A_134 : i1 to i32
      %cond3A_136 = arith.constant 0 : i32
      %cond3A_137 = arith.cmpi ne, %convert_element_type3A_135, %cond3A_136 : i32
      scf.if %cond3A_137 {
      } else {
      }
      %rem3A_138 = arith.constant 2 : i32
      %rem3A_139 = arith.remui %scan3A, %rem3A_138 : i32
      %rem3A_140 = arith.constant 2 : i32
      %rem3A_141 = arith.remui %scan3A_63, %rem3A_140 : i32
      %run_scoped3A_142 = arith.constant 0 : i32
      "tpu.trace_start"() <{level = 10 : i32, message = "ep_run_kernel"}> : () -> ()
      "tpu.region"() ({
        %run_scoped3A_266 = tpu.sem_alloc : memref<!tpu.dma_semaphore, #tpu.memory_space<semaphore_mem>>
        %dma_start3A_267 = arith.constant 0 : i32
        %dma_start3A_268 = arith.constant 0 : i32
        %dma_start3A_269 = tpu.memref_slice %run_scoped3A_8[%rem3A_141, %dma_start3A_267, %dma_start3A_268] : memref<2x128x128xf32, #tpu.memory_space<vmem>> -> memref<1x128x128xf32, #tpu.memory_space<vmem>>
        %dma_start3A_270 = tpu.memref_squeeze %dma_start3A_269 : memref<1x128x128xf32, #tpu.memory_space<vmem>> -> memref<128x128xf32, #tpu.memory_space<vmem>>
        %dma_start3A_271 = arith.constant 0 : i32
        %dma_start3A_272 = arith.constant 0 : i32
        %dma_start3A_273 = tpu.memref_slice %run_scoped3A[%rem3A_139, %dma_start3A_271, %dma_start3A_272] : memref<2x1x128xi32, #tpu.memory_space<vmem>> -> memref<1x1x128xi32, #tpu.memory_space<vmem>>
        %dma_start3A_274 = tpu.memref_squeeze %dma_start3A_273 : memref<1x1x128xi32, #tpu.memory_space<vmem>> -> memref<1x128xi32, #tpu.memory_space<vmem>>
        %dma_start3A_275 = arith.constant 0 : i32
        %dma_start3A_276 = tpu.memref_slice %dma_start3A_274[%run_scoped3A_142, %dma_start3A_275] : memref<1x128xi32, #tpu.memory_space<vmem>> -> memref<1x128xi32, #tpu.memory_space<vmem>>
        %dma_start3A_277 = tpu.memref_squeeze %dma_start3A_276 : memref<1x128xi32, #tpu.memory_space<vmem>> -> memref<128xi32, #tpu.memory_space<vmem>>
        %dma_start3A_278 = arith.constant 0 : i32
        %dma_start3A_279 = arith.constant 0 : i32
        %dma_start3A_280 = tpu.memref_slice %arg2[%dma_start3A_278, %dma_start3A_279] : memref<8192x128xf32, #tpu.memory_space<hbm>> -> memref<8192x128xf32, #tpu.memory_space<hbm>>
        tpu.enqueue_indirect_dma source(%dma_start3A_280 : memref<8192x128xf32, #tpu.memory_space<hbm>>) target(%dma_start3A_270 : memref<128x128xf32, #tpu.memory_space<vmem>>) offsets(%dma_start3A_277 : memref<128xi32, #tpu.memory_space<vmem>>) semaphore(%run_scoped3A_266 : memref<!tpu.dma_semaphore, #tpu.memory_space<semaphore_mem>>)
        %dma_wait3A_281 = arith.constant 0 : i32
        %dma_wait3A_282 = arith.constant 0 : i32
        %dma_wait3A_283 = tpu.memref_slice %run_scoped3A_8[%rem3A_141, %dma_wait3A_281, %dma_wait3A_282] : memref<2x128x128xf32, #tpu.memory_space<vmem>> -> memref<1x128x128xf32, #tpu.memory_space<vmem>>
        %dma_wait3A_284 = tpu.memref_squeeze %dma_wait3A_283 : memref<1x128x128xf32, #tpu.memory_space<vmem>> -> memref<128x128xf32, #tpu.memory_space<vmem>>
        %dma_wait3A_285 = arith.constant 0 : i32
        %dma_wait3A_286 = arith.constant 0 : i32
        %dma_wait3A_287 = tpu.memref_slice %run_scoped3A[%rem3A_139, %dma_wait3A_285, %dma_wait3A_286] : memref<2x1x128xi32, #tpu.memory_space<vmem>> -> memref<1x1x128xi32, #tpu.memory_space<vmem>>
        %dma_wait3A_288 = tpu.memref_squeeze %dma_wait3A_287 : memref<1x1x128xi32, #tpu.memory_space<vmem>> -> memref<1x128xi32, #tpu.memory_space<vmem>>
        %dma_wait3A_289 = arith.constant 0 : i32
        %dma_wait3A_290 = tpu.memref_slice %dma_wait3A_288[%run_scoped3A_142, %dma_wait3A_289] : memref<1x128xi32, #tpu.memory_space<vmem>> -> memref<1x128xi32, #tpu.memory_space<vmem>>
        %dma_wait3A_291 = tpu.memref_squeeze %dma_wait3A_290 : memref<1x128xi32, #tpu.memory_space<vmem>> -> memref<128xi32, #tpu.memory_space<vmem>>
        %dma_wait3A_292 = arith.constant 0 : i32
        %dma_wait3A_293 = arith.constant 0 : i32
        %dma_wait3A_294 = tpu.memref_slice %arg2[%dma_wait3A_292, %dma_wait3A_293] : memref<8192x128xf32, #tpu.memory_space<hbm>> -> memref<8192x128xf32, #tpu.memory_space<hbm>>
        tpu.wait_indirect_dma semaphore(%run_scoped3A_266 : memref<!tpu.dma_semaphore, #tpu.memory_space<semaphore_mem>>) src(%dma_wait3A_294 : memref<8192x128xf32, #tpu.memory_space<hbm>>) dst(%dma_wait3A_284 : memref<128x128xf32, #tpu.memory_space<vmem>>)
        tpu.yield
      }) : () -> ()
      "tpu.trace_stop"() : () -> ()
      %ne3A_143 = arith.cmpi ne, %add3A_72, %add3A_92 : i32
      %or3A_144 = arith.constant false
      %or3A_145 = arith.ori %or3A_144, %ne3A_143 : i1
      %or3A_146 = arith.ori %or3A_145, %eq3A_70 : i1
      %convert_element_type3A_147 = arith.extui %or3A_146 : i1 to i32
      %cond3A_148 = arith.constant 0 : i32
      %cond3A_149 = arith.cmpi ne, %convert_element_type3A_147, %cond3A_148 : i32
      scf.if %cond3A_149 {
      } else {
      }
      %and3A_150 = arith.constant false
      %and3A_151 = arith.andi %or3A_146, %and3A_150 : i1
      %ne3A_152 = arith.cmpi ne, %add3A_72, %add3A_92 : i32
      %or3A_153 = arith.constant false
      %or3A_154 = arith.ori %or3A_153, %ne3A_152 : i1
      %or3A_155 = arith.constant false
      %or3A_156 = arith.ori %or3A_154, %or3A_155 : i1
      %or3A_157 = arith.ori %or3A_156, %eq3A_70 : i1
      %convert_element_type3A_158 = arith.extui %or3A_157 : i1 to i32
      %cond3A_159 = arith.constant 0 : i32
      %cond3A_160 = arith.cmpi ne, %convert_element_type3A_158, %cond3A_159 : i32
      scf.if %cond3A_160 {
        "tpu.trace_start"() <{level = 10 : i32, message = "ep_copy_out"}> : () -> ()
        %rem3A_266 = arith.constant 2 : i32
        %rem3A_267 = arith.remui %scan3A_63, %rem3A_266 : i32
        %mul3A_268 = arith.constant 128 : i32
        %mul3A_269 = arith.muli %mul3A_268, %add3A_72 : i32
        %dma_start3A_270 = arith.constant 0 : i32
        %dma_start3A_271 = arith.constant 0 : i32
        %dma_start3A_272 = tpu.memref_slice %run_scoped3A_8[%rem3A_267, %dma_start3A_270, %dma_start3A_271] : memref<2x128x128xf32, #tpu.memory_space<vmem>> -> memref<1x128x128xf32, #tpu.memory_space<vmem>>
        %dma_start3A_273 = tpu.memref_squeeze %dma_start3A_272 : memref<1x128x128xf32, #tpu.memory_space<vmem>> -> memref<128x128xf32, #tpu.memory_space<vmem>>
        %dma_start3A_274 = arith.constant 0 : i32
        %dma_start3A_275 = tpu.memref_slice %arg4[%mul3A_269, %dma_start3A_274] : memref<4096x128xf32, #tpu.memory_space<hbm>> -> memref<128x128xf32, #tpu.memory_space<hbm>>
        %dma_start3A_276 = tpu.memref_slice %run_scoped3A_9[%rem3A_267] : memref<2x!tpu.dma_semaphore, #tpu.memory_space<semaphore_mem>> -> memref<1x!tpu.dma_semaphore, #tpu.memory_space<semaphore_mem>>
        %dma_start3A_277 = tpu.memref_squeeze %dma_start3A_276 : memref<1x!tpu.dma_semaphore, #tpu.memory_space<semaphore_mem>> -> memref<!tpu.dma_semaphore, #tpu.memory_space<semaphore_mem>>
        %dma_start3A_278 = arith.constant 0 : i32
        %dma_start3A_279 = tpu.memref_slice %arg4[%mul3A_269, %dma_start3A_278] : memref<4096x128xf32, #tpu.memory_space<hbm>> -> memref<128x128xf32, #tpu.memory_space<hbm>>
        %dma_start3A_280 = arith.constant 0 : i32
        %dma_start3A_281 = arith.constant 0 : i32
        %dma_start3A_282 = tpu.memref_slice %run_scoped3A_8[%rem3A_267, %dma_start3A_280, %dma_start3A_281] : memref<2x128x128xf32, #tpu.memory_space<vmem>> -> memref<1x128x128xf32, #tpu.memory_space<vmem>>
        %dma_start3A_283 = tpu.memref_squeeze %dma_start3A_282 : memref<1x128x128xf32, #tpu.memory_space<vmem>> -> memref<128x128xf32, #tpu.memory_space<vmem>>
        tpu.enqueue_dma source(%dma_start3A_283 : memref<128x128xf32, #tpu.memory_space<vmem>>) target(%dma_start3A_279 : memref<128x128xf32, #tpu.memory_space<hbm>>) target_semaphore(%dma_start3A_277 : memref<!tpu.dma_semaphore, #tpu.memory_space<semaphore_mem>>)
        "tpu.trace_stop"() : () -> ()
      } else {
      }
      %and3A_161 = arith.constant true
      %and3A_162 = arith.andi %or3A_157, %and3A_161 : i1
      %add3A_163 = arith.constant 1 : i32
      %add3A_164 = arith.addi %scan3A_63, %add3A_163 : i32
      %select_n3A_165 = arith.select %and3A_162, %add3A_164, %scan3A_63 : i32
      %ne3A_166 = arith.cmpi ne, %add3A_72, %add3A_82 : i32
      %or3A_167 = arith.constant false
      %or3A_168 = arith.ori %or3A_167, %ne3A_166 : i1
      %not3A_169 = arith.constant true
      %not3A_170 = arith.xori %eq3A_68, %not3A_169 : i1
      %and3A_171 = arith.andi %or3A_168, %not3A_170 : i1
      %convert_element_type3A_172 = arith.extui %and3A_171 : i1 to i32
      %cond3A_173 = arith.constant 0 : i32
      %cond3A_174 = arith.cmpi ne, %convert_element_type3A_172, %cond3A_173 : i32
      scf.if %cond3A_174 {
      } else {
      }
      %and3A_175 = arith.constant false
      %and3A_176 = arith.andi %and3A_171, %and3A_175 : i1
      %ne3A_177 = arith.cmpi ne, %add3A_72, %add3A_82 : i32
      %or3A_178 = arith.constant false
      %or3A_179 = arith.ori %or3A_178, %ne3A_177 : i1
      %or3A_180 = arith.constant false
      %or3A_181 = arith.ori %or3A_179, %or3A_180 : i1
      %not3A_182 = arith.constant true
      %not3A_183 = arith.xori %eq3A_68, %not3A_182 : i1
      %and3A_184 = arith.andi %or3A_181, %not3A_183 : i1
      %convert_element_type3A_185 = arith.extui %and3A_184 : i1 to i32
      %cond3A_186 = arith.constant 0 : i32
      %cond3A_187 = arith.cmpi ne, %convert_element_type3A_185, %cond3A_186 : i32
      scf.if %cond3A_187 {
        "tpu.trace_start"() <{level = 10 : i32, message = "ep_wait_out"}> : () -> ()
        %rem3A_266 = arith.constant 2 : i32
        %rem3A_267 = arith.remui %scan3A_64, %rem3A_266 : i32
        %mul3A_268 = arith.constant 128 : i32
        %mul3A_269 = arith.muli %mul3A_268, %add3A_82 : i32
        %dma_wait3A_270 = arith.constant 0 : i32
        %dma_wait3A_271 = arith.constant 0 : i32
        %dma_wait3A_272 = tpu.memref_slice %run_scoped3A_8[%rem3A_267, %dma_wait3A_270, %dma_wait3A_271] : memref<2x128x128xf32, #tpu.memory_space<vmem>> -> memref<1x128x128xf32, #tpu.memory_space<vmem>>
        %dma_wait3A_273 = tpu.memref_squeeze %dma_wait3A_272 : memref<1x128x128xf32, #tpu.memory_space<vmem>> -> memref<128x128xf32, #tpu.memory_space<vmem>>
        %dma_wait3A_274 = arith.constant 0 : i32
        %dma_wait3A_275 = tpu.memref_slice %arg4[%mul3A_269, %dma_wait3A_274] : memref<4096x128xf32, #tpu.memory_space<hbm>> -> memref<128x128xf32, #tpu.memory_space<hbm>>
        %dma_wait3A_276 = tpu.memref_slice %run_scoped3A_9[%rem3A_267] : memref<2x!tpu.dma_semaphore, #tpu.memory_space<semaphore_mem>> -> memref<1x!tpu.dma_semaphore, #tpu.memory_space<semaphore_mem>>
        %dma_wait3A_277 = tpu.memref_squeeze %dma_wait3A_276 : memref<1x!tpu.dma_semaphore, #tpu.memory_space<semaphore_mem>> -> memref<!tpu.dma_semaphore, #tpu.memory_space<semaphore_mem>>
        %dma_wait3A_278 = arith.constant 0 : i32
        %dma_wait3A_279 = tpu.memref_slice %arg4[%mul3A_269, %dma_wait3A_278] : memref<4096x128xf32, #tpu.memory_space<hbm>> -> memref<128x128xf32, #tpu.memory_space<hbm>>
        %dma_wait3A_280 = arith.constant 0 : i32
        %dma_wait3A_281 = arith.constant 0 : i32
        %dma_wait3A_282 = tpu.memref_slice %run_scoped3A_8[%rem3A_267, %dma_wait3A_280, %dma_wait3A_281] : memref<2x128x128xf32, #tpu.memory_space<vmem>> -> memref<1x128x128xf32, #tpu.memory_space<vmem>>
        %dma_wait3A_283 = tpu.memref_squeeze %dma_wait3A_282 : memref<1x128x128xf32, #tpu.memory_space<vmem>> -> memref<128x128xf32, #tpu.memory_space<vmem>>
        tpu.wait_dma2 semaphore(%dma_wait3A_277 : memref<!tpu.dma_semaphore, #tpu.memory_space<semaphore_mem>>) src(%dma_wait3A_283 : memref<128x128xf32, #tpu.memory_space<vmem>>) dst(%dma_wait3A_279 : memref<128x128xf32, #tpu.memory_space<hbm>>)
        "tpu.trace_stop"() : () -> ()
      } else {
      }
      %and3A_188 = arith.constant true
      %and3A_189 = arith.andi %and3A_184, %and3A_188 : i1
      %add3A_190 = arith.constant 1 : i32
      %add3A_191 = arith.addi %scan3A_64, %add3A_190 : i32
      %select_n3A_192 = arith.select %and3A_189, %add3A_191, %scan3A_64 : i32
      %ne3A_193 = arith.cmpi ne, %add3A_72, %add3A_92 : i32
      %or3A_194 = arith.constant false
      %or3A_195 = arith.ori %or3A_194, %ne3A_193 : i1
      %or3A_196 = arith.ori %or3A_195, %eq3A_70 : i1
      %add3A_197 = arith.constant 1 : i32
      %add3A_198 = arith.addi %scan3A, %add3A_197 : i32
      %select_n3A_199 = arith.select %or3A_196, %add3A_198, %scan3A : i32
      %select_n3A_200 = arith.constant true
      %select_n3A_201 = arith.constant 0 : i32
      %select_n3A_202 = arith.constant 1 : i32
      %select_n3A_203 = arith.select %select_n3A_200, %select_n3A_202, %select_n3A_201 : i32
      %eq3A_204 = arith.constant 1 : i32
      %eq3A_205 = arith.cmpi eq, %select_n3A_203, %eq3A_204 : i32
      %select_n3A_206 = arith.constant 0 : i32
      %select_n3A_207 = arith.select %eq3A_205, %select_n3A_206, %select_n3A_203 : i32
      %scan3A_208 = arith.constant 0 : i32
      %scan3A_209 = arith.constant 1 : i32
      %sub3A = arith.constant 1 : i32
      %sub3A_210 = arith.subi %scan3A_208, %sub3A : i32
      %select_n3A_211 = arith.constant true
      %select_n3A_212 = arith.select %select_n3A_211, %sub3A_210, %scan3A_208 : i32
      %eq3A_213 = arith.constant -1 : i32
      %eq3A_214 = arith.cmpi eq, %select_n3A_212, %eq3A_213 : i32
      %select_n3A_215 = arith.constant 0 : i32
      %select_n3A_216 = arith.select %eq3A_214, %select_n3A_215, %select_n3A_212 : i32
      %add3A_217 = arith.constant 0 : i32
      %add3A_218 = arith.addi %add3A_217, %mul3A_6 : i32
      %select_n3A_219 = arith.constant true
      %select_n3A_220 = arith.constant 0 : i32
      %select_n3A_221 = arith.constant -1 : i32
      %select_n3A_222 = arith.select %select_n3A_219, %select_n3A_221, %select_n3A_220 : i32
      %eq3A_223 = arith.constant -1 : i32
      %eq3A_224 = arith.cmpi eq, %select_n3A_222, %eq3A_223 : i32
      %select_n3A_225 = arith.constant 0 : i32
      %select_n3A_226 = arith.select %eq3A_224, %select_n3A_225, %select_n3A_222 : i32
      %add3A_227 = arith.constant 0 : i32
      %add3A_228 = arith.addi %add3A_227, %mul3A_6 : i32
      %select_n3A_229 = arith.constant true
      %select_n3A_230 = arith.constant 0 : i32
      %select_n3A_231 = arith.constant 1 : i32
      %select_n3A_232 = arith.select %select_n3A_229, %select_n3A_231, %select_n3A_230 : i32
      %eq3A_233 = arith.constant 1 : i32
      %eq3A_234 = arith.cmpi eq, %select_n3A_232, %eq3A_233 : i32
      %select_n3A_235 = arith.constant 0 : i32
      %select_n3A_236 = arith.select %eq3A_234, %select_n3A_235, %select_n3A_232 : i32
      %add3A_237 = arith.constant 0 : i32
      %add3A_238 = arith.addi %add3A_237, %mul3A_6 : i32
      %select_n3A_239 = arith.constant true
      %select_n3A_240 = arith.constant 0 : i32
      %select_n3A_241 = arith.constant 1 : i32
      %select_n3A_242 = arith.select %select_n3A_239, %select_n3A_241, %select_n3A_240 : i32
      %eq3A_243 = arith.constant 1 : i32
      %eq3A_244 = arith.cmpi eq, %select_n3A_242, %eq3A_243 : i32
      %select_n3A_245 = arith.constant 0 : i32
      %select_n3A_246 = arith.select %eq3A_244, %select_n3A_245, %select_n3A_242 : i32
      %add3A_247 = arith.constant 0 : i32
      %add3A_248 = arith.addi %add3A_247, %mul3A_6 : i32
      "tpu.trace_start"() <{level = 10 : i32, message = "ep_finalize"}> : () -> ()
      %rem3A_249 = arith.constant 2 : i32
      %rem3A_250 = arith.remui %select_n3A_192, %rem3A_249 : i32
      %mul3A_251 = arith.constant 128 : i32
      %mul3A_252 = arith.muli %mul3A_251, %add3A_218 : i32
      %dma_wait3A = arith.constant 0 : i32
      %dma_wait3A_253 = arith.constant 0 : i32
      %dma_wait3A_254 = tpu.memref_slice %run_scoped3A_8[%rem3A_250, %dma_wait3A, %dma_wait3A_253] : memref<2x128x128xf32, #tpu.memory_space<vmem>> -> memref<1x128x128xf32, #tpu.memory_space<vmem>>
      %dma_wait3A_255 = tpu.memref_squeeze %dma_wait3A_254 : memref<1x128x128xf32, #tpu.memory_space<vmem>> -> memref<128x128xf32, #tpu.memory_space<vmem>>
      %dma_wait3A_256 = arith.constant 0 : i32
      %dma_wait3A_257 = tpu.memref_slice %arg4[%mul3A_252, %dma_wait3A_256] : memref<4096x128xf32, #tpu.memory_space<hbm>> -> memref<128x128xf32, #tpu.memory_space<hbm>>
      %dma_wait3A_258 = tpu.memref_slice %run_scoped3A_9[%rem3A_250] : memref<2x!tpu.dma_semaphore, #tpu.memory_space<semaphore_mem>> -> memref<1x!tpu.dma_semaphore, #tpu.memory_space<semaphore_mem>>
      %dma_wait3A_259 = tpu.memref_squeeze %dma_wait3A_258 : memref<1x!tpu.dma_semaphore, #tpu.memory_space<semaphore_mem>> -> memref<!tpu.dma_semaphore, #tpu.memory_space<semaphore_mem>>
      %dma_wait3A_260 = arith.constant 0 : i32
      %dma_wait3A_261 = tpu.memref_slice %arg4[%mul3A_252, %dma_wait3A_260] : memref<4096x128xf32, #tpu.memory_space<hbm>> -> memref<128x128xf32, #tpu.memory_space<hbm>>
      %dma_wait3A_262 = arith.constant 0 : i32
      %dma_wait3A_263 = arith.constant 0 : i32
      %dma_wait3A_264 = tpu.memref_slice %run_scoped3A_8[%rem3A_250, %dma_wait3A_262, %dma_wait3A_263] : memref<2x128x128xf32, #tpu.memory_space<vmem>> -> memref<1x128x128xf32, #tpu.memory_space<vmem>>
      %dma_wait3A_265 = tpu.memref_squeeze %dma_wait3A_264 : memref<1x128x128xf32, #tpu.memory_space<vmem>> -> memref<128x128xf32, #tpu.memory_space<vmem>>
      tpu.wait_dma2 semaphore(%dma_wait3A_259 : memref<!tpu.dma_semaphore, #tpu.memory_space<semaphore_mem>>) src(%dma_wait3A_265 : memref<128x128xf32, #tpu.memory_space<vmem>>) dst(%dma_wait3A_261 : memref<128x128xf32, #tpu.memory_space<hbm>>)
      "tpu.trace_stop"() : () -> ()
      tpu.yield
    }) : () -> ()
    return
  }
}

module attributes {stable_mosaic.version = 14 : i64} {
  func.func @_encode_body(%arg0: i32, %arg1: memref<1x3x16x14x16x14xf32, #tpu.memory_space<vmem>>, %arg2: memref<588x64xf32, #tpu.memory_space<vmem>>, %arg3: memref<1x64xf32, #tpu.memory_space<vmem>>, %arg4: memref<512x64xf32, #tpu.memory_space<vmem>>, %arg5: memref<256x64xf32, #tpu.memory_space<vmem>>, %arg6: memref<1x256x588xf32, #tpu.memory_space<vmem>>, %arg7: memref<512x128xf32, #tpu.memory_space<vmem>>) attributes {dimension_semantics = [#tpu.dimension_semantics<arbitrary>], iteration_bounds = array<i64: 16>, scalar_prefetch = 0 : i64, scratch_operands = 0 : i64, tpu.core_type = #tpu.core_type<tc>, window_params = [{transform_indices = @transform_0, window_bounds = array<i64: 1, 3, 16, 14, 16, 14>}, {pipeline_mode = #tpu.pipeline_mode<synchronous>, transform_indices = @transform_1, window_bounds = array<i64: 588, 64>}, {pipeline_mode = #tpu.pipeline_mode<synchronous>, transform_indices = @transform_2, window_bounds = array<i64: 1, 64>}, {transform_indices = @transform_3, window_bounds = array<i64: 512, 64>}, {transform_indices = @transform_4, window_bounds = array<i64: 256, 64>}, {transform_indices = @transform_5, window_bounds = array<i64: 1, 256, 588>}, {transform_indices = @transform_6, window_bounds = array<i64: 512, 128>}]} {
    %get3A = arith.constant 0 : index
    %get3A_0 = arith.constant 0 : index
    %get3A_1 = arith.constant 0 : index
    %get3A_2 = arith.constant 0 : index
    %get3A_3 = arith.constant 0 : index
    %get3A_4 = arith.constant 0 : index
    %get3A_5 = vector.load %arg1[%get3A, %get3A_0, %get3A_1, %get3A_2, %get3A_3, %get3A_4] : memref<1x3x16x14x16x14xf32, #tpu.memory_space<vmem>>, vector<1x3x16x14x16x14xf32>
    %get3A_6 = vector.shape_cast %get3A_5 : vector<1x3x16x14x16x14xf32> to vector<3x16x14x16x14xf32>
    %transpose3A = tpu.transpose %get3A_6, [1, 3, 0, 2, 4] : vector<3x16x14x16x14xf32> -> vector<16x16x3x14x14xf32>
    %reshape3A = vector.shape_cast %transpose3A : vector<16x16x3x14x14xf32> to vector<256x588xf32>
    %swap3A = arith.constant 0 : index
    %swap3A_7 = arith.constant 0 : index
    %swap3A_8 = arith.constant 0 : index
    %swap3A_9 = vector.load %arg6[%swap3A, %swap3A_7, %swap3A_8] : memref<1x256x588xf32, #tpu.memory_space<vmem>>, vector<1x256x588xf32>
    %swap3A_10 = vector.shape_cast %swap3A_9 : vector<1x256x588xf32> to vector<256x588xf32>
    %swap3A_11 = vector.shape_cast %reshape3A : vector<256x588xf32> to vector<1x256x588xf32>
    tpu.vector_store %arg6[%swap3A, %swap3A_7, %swap3A_8], %swap3A_11 {strides = array<i32>} : memref<1x256x588xf32, #tpu.memory_space<vmem>>, vector<1x256x588xf32>,
    %get3A_12 = arith.constant 0 : index
    %get3A_13 = arith.constant 0 : index
    %get3A_14 = vector.load %arg2[%get3A_12, %get3A_13] : memref<588x64xf32, #tpu.memory_space<vmem>>, vector<588x64xf32>
    %dot_general3A = arith.constant dense<0.000000e+00> : vector<256x64xf32>
    %dot_general3A_15 = tpu.matmul %reshape3A, %get3A_14, %dot_general3A {dimension_numbers = #tpu.dot_dimension_numbers<[1], [0], [0], [1], [0, 0, 1, 1], [], []>, transpose_lhs_hint = false} : vector<256x588xf32>, vector<588x64xf32>, vector<256x64xf32> -> vector<256x64xf32>
    %get3A_16 = arith.constant 0 : index
    %get3A_17 = arith.constant 0 : index
    %get3A_18 = vector.load %arg3[%get3A_16, %get3A_17] : memref<1x64xf32, #tpu.memory_space<vmem>>, vector<1x64xf32>
    %add3A = vector.broadcast %get3A_18 : vector<1x64xf32> to vector<256x64xf32>
    %add3A_19 = arith.addf %dot_general3A_15, %add3A : vector<256x64xf32>
    %swap3A_20 = arith.constant 0 : index
    %swap3A_21 = arith.constant 0 : index
    %swap3A_22 = vector.load %arg5[%swap3A_20, %swap3A_21] : memref<256x64xf32, #tpu.memory_space<vmem>>, vector<256x64xf32>
    tpu.vector_store %arg5[%swap3A_20, %swap3A_21], %add3A_19 {strides = array<i32>} : memref<256x64xf32, #tpu.memory_space<vmem>>, vector<256x64xf32>,
    %get3A_23 = arith.constant 0 : index
    %get3A_24 = arith.constant 0 : index
    %get3A_25 = vector.load %arg4[%get3A_23, %get3A_24] : memref<512x64xf32, #tpu.memory_space<vmem>>, vector<512x64xf32>
    %broadcast_in_dim3A = arith.constant 0.000000e+00 : f32
    %broadcast_in_dim3A_26 = vector.broadcast %broadcast_in_dim3A : f32 to vector<512x64xf32>
    %concatenate3A = tpu.concatenate %get3A_25, %broadcast_in_dim3A_26 in 1 : vector<512x64xf32>, vector<512x64xf32> -> vector<512x128xf32>
    %swap3A_27 = arith.constant 0 : index
    %swap3A_28 = arith.constant 0 : index
    %swap3A_29 = vector.load %arg7[%swap3A_27, %swap3A_28] : memref<512x128xf32, #tpu.memory_space<vmem>>, vector<512x128xf32>
    tpu.vector_store %arg7[%swap3A_27, %swap3A_28], %concatenate3A {strides = array<i32>} : memref<512x128xf32, #tpu.memory_space<vmem>>, vector<512x128xf32>,
    return
  }
  func.func @transform_0(%arg0: i32) -> (i32, i32, i32, i32, i32, i32) {
    %c0_i32 = arith.constant 0 : i32
    %c0_i32_0 = arith.constant 0 : i32
    %c0_i32_1 = arith.constant 0 : i32
    %c0_i32_2 = arith.constant 0 : i32
    %c0_i32_3 = arith.constant 0 : i32
    %c0_i32_4 = arith.constant 0 : i32
    return %arg0, %c0_i32, %c0_i32_0, %c0_i32_1, %c0_i32_2, %c0_i32_3 : i32, i32, i32, i32, i32, i32
  }
  func.func @transform_1(%arg0: i32) -> (i32, i32) {
    %c0_i32 = arith.constant 0 : i32
    %c0_i32_0 = arith.constant 0 : i32
    %c0_i32_1 = arith.constant 0 : i32
    return %c0_i32, %c0_i32_0 : i32, i32
  }
  func.func @transform_2(%arg0: i32) -> (i32, i32) {
    %c0_i32 = arith.constant 0 : i32
    %c0_i32_0 = arith.constant 0 : i32
    %c0_i32_1 = arith.constant 0 : i32
    return %c0_i32, %c0_i32_0 : i32, i32
  }
  func.func @transform_3(%arg0: i32) -> (i32, i32) {
    %c0_i32 = arith.constant 0 : i32
    %c0_i32_0 = arith.constant 0 : i32
    return %arg0, %c0_i32 : i32, i32
  }
  func.func @transform_4(%arg0: i32) -> (i32, i32) {
    %c0_i32 = arith.constant 0 : i32
    %c0_i32_0 = arith.constant 0 : i32
    return %arg0, %c0_i32 : i32, i32
  }
  func.func @transform_5(%arg0: i32) -> (i32, i32, i32) {
    %c0_i32 = arith.constant 0 : i32
    %c0_i32_0 = arith.constant 0 : i32
    %c0_i32_1 = arith.constant 0 : i32
    return %arg0, %c0_i32, %c0_i32_0 : i32, i32, i32
  }
  func.func @transform_6(%arg0: i32) -> (i32, i32) {
    %c0_i32 = arith.constant 0 : i32
    %c0_i32_0 = arith.constant 0 : i32
    return %arg0, %c0_i32 : i32, i32
  }
}

module attributes {stable_mosaic.version = 14 : i64} {
  func.func @_argmin_body(%arg0: i32, %arg1: memref<1024x64xf32, #tpu.memory_space<vmem>>, %arg2: memref<64x8192xf32, #tpu.memory_space<vmem>>, %arg3: memref<1024x1xf32, #tpu.memory_space<vmem>>, %arg4: memref<1x8192xf32, #tpu.memory_space<vmem>>, %arg5: memref<1024x1xi32, #tpu.memory_space<vmem>>) attributes {dimension_semantics = [#tpu.dimension_semantics<arbitrary>], iteration_bounds = array<i64: 4>, scalar_prefetch = 0 : i64, scratch_operands = 0 : i64, tpu.core_type = #tpu.core_type<tc>, window_params = [{transform_indices = @transform_0, window_bounds = array<i64: 1024, 64>}, {pipeline_mode = #tpu.pipeline_mode<synchronous>, transform_indices = @transform_1, window_bounds = array<i64: 64, 8192>}, {transform_indices = @transform_2, window_bounds = array<i64: 1024, 1>}, {pipeline_mode = #tpu.pipeline_mode<synchronous>, transform_indices = @transform_3, window_bounds = array<i64: 1, 8192>}, {transform_indices = @transform_4, window_bounds = array<i64: 1024, 1>}]} {
    %get3A = arith.constant 0 : index
    %get3A_0 = arith.constant 0 : index
    %get3A_1 = vector.load %arg3[%get3A, %get3A_0] : memref<1024x1xf32, #tpu.memory_space<vmem>>, vector<1024x1xf32>
    %get3A_2 = arith.constant 0 : index
    %get3A_3 = arith.constant 0 : index
    %get3A_4 = vector.load %arg1[%get3A_2, %get3A_3] : memref<1024x64xf32, #tpu.memory_space<vmem>>, vector<1024x64xf32>
    %get3A_5 = arith.constant 0 : index
    %get3A_6 = arith.constant 0 : index
    %get3A_7 = vector.load %arg2[%get3A_5, %get3A_6] : memref<64x8192xf32, #tpu.memory_space<vmem>>, vector<64x8192xf32>
    %dot_general3A = arith.constant dense<0.000000e+00> : vector<1024x8192xf32>
    %dot_general3A_8 = tpu.matmul %get3A_4, %get3A_7, %dot_general3A {dimension_numbers = #tpu.dot_dimension_numbers<[1], [0], [0], [1], [0, 0, 1, 1], [], []>, transpose_lhs_hint = false} : vector<1024x64xf32>, vector<64x8192xf32>, vector<1024x8192xf32> -> vector<1024x8192xf32>
    %mul3A = arith.constant 2.000000e+00 : f32
    %mul3A_9 = vector.broadcast %mul3A : f32 to vector<1024x8192xf32>
    %mul3A_10 = arith.mulf %mul3A_9, %dot_general3A_8 : vector<1024x8192xf32>
    %sub3A = vector.broadcast %get3A_1 : vector<1024x1xf32> to vector<1024x8192xf32>
    %sub3A_11 = arith.subf %sub3A, %mul3A_10 : vector<1024x8192xf32>
    %get3A_12 = arith.constant 0 : index
    %get3A_13 = arith.constant 0 : index
    %get3A_14 = vector.load %arg4[%get3A_12, %get3A_13] : memref<1x8192xf32, #tpu.memory_space<vmem>>, vector<1x8192xf32>
    %add3A = vector.broadcast %get3A_14 : vector<1x8192xf32> to vector<1024x8192xf32>
    %add3A_15 = arith.addf %sub3A_11, %add3A : vector<1024x8192xf32>
    %reduce_min3A = arith.constant dense<0x7F800000> : vector<1024xf32>
    %reduce_min3A_16 = vector.multi_reduction <minimumf>, %add3A_15, %reduce_min3A [1] : vector<1024x8192xf32> to vector<1024xf32>
    %broadcast_in_dim3A = vector.shape_cast %reduce_min3A_16 : vector<1024xf32> to vector<1024x1xf32>
    %iota3A = tpu.iota {dimensions = array<i32: 1>} : vector<1024x8192xi32>
    %convert_element_type3A = arith.sitofp %iota3A : vector<1024x8192xi32> to vector<1024x8192xf32>
    %eq3A = vector.broadcast %broadcast_in_dim3A : vector<1024x1xf32> to vector<1024x8192xf32>
    %eq3A_17 = arith.cmpf oeq, %add3A_15, %eq3A : vector<1024x8192xf32>
    %jit3A = arith.constant 8.192000e+03 : f32
    %broadcast_in_dim3A_18 = vector.broadcast %jit3A : f32 to vector<1024x8192xf32>
    %select_n3A = arith.select %eq3A_17, %convert_element_type3A, %broadcast_in_dim3A_18 : vector<1024x8192xi1>, vector<1024x8192xf32>
    %reduce_min3A_19 = arith.constant dense<0x7F800000> : vector<1024xf32>
    %reduce_min3A_20 = vector.multi_reduction <minimumf>, %select_n3A, %reduce_min3A_19 [1] : vector<1024x8192xf32> to vector<1024xf32>
    %broadcast_in_dim3A_21 = vector.shape_cast %reduce_min3A_20 : vector<1024xf32> to vector<1024x1xf32>
    %convert_element_type3A_22 = arith.fptosi %broadcast_in_dim3A_21 : vector<1024x1xf32> to vector<1024x1xi32>
    %swap3A = arith.constant 0 : index
    %swap3A_23 = arith.constant 0 : index
    %swap3A_24 = vector.load %arg5[%swap3A, %swap3A_23] : memref<1024x1xi32, #tpu.memory_space<vmem>>, vector<1024x1xi32>
    tpu.vector_store %arg5[%swap3A, %swap3A_23], %convert_element_type3A_22 {strides = array<i32>} : memref<1024x1xi32, #tpu.memory_space<vmem>>, vector<1024x1xi32>,
    return
  }
  func.func @transform_0(%arg0: i32) -> (i32, i32) {
    %c0_i32 = arith.constant 0 : i32
    %c0_i32_0 = arith.constant 0 : i32
    return %arg0, %c0_i32 : i32, i32
  }
  func.func @transform_1(%arg0: i32) -> (i32, i32) {
    %c0_i32 = arith.constant 0 : i32
    %c0_i32_0 = arith.constant 0 : i32
    %c0_i32_1 = arith.constant 0 : i32
    return %c0_i32, %c0_i32_0 : i32, i32
  }
  func.func @transform_2(%arg0: i32) -> (i32, i32) {
    %c0_i32 = arith.constant 0 : i32
    %c0_i32_0 = arith.constant 0 : i32
    return %arg0, %c0_i32 : i32, i32
  }
  func.func @transform_3(%arg0: i32) -> (i32, i32) {
    %c0_i32 = arith.constant 0 : i32
    %c0_i32_0 = arith.constant 0 : i32
    %c0_i32_1 = arith.constant 0 : i32
    return %c0_i32, %c0_i32_0 : i32, i32
  }
  func.func @transform_4(%arg0: i32) -> (i32, i32) {
    %c0_i32 = arith.constant 0 : i32
    %c0_i32_0 = arith.constant 0 : i32
    return %arg0, %c0_i32 : i32, i32
  }
}

module attributes {stable_mosaic.version = 14 : i64} {
  func.func @_decode_loss_body(%arg0: i32, %arg1: memref<256x64xf32, #tpu.memory_space<vmem>>, %arg2: memref<256x128xf32, #tpu.memory_space<vmem>>, %arg3: memref<1x256x588xf32, #tpu.memory_space<vmem>>, %arg4: memref<64x588xf32, #tpu.memory_space<vmem>>, %arg5: memref<1x588xf32, #tpu.memory_space<vmem>>, %arg6: memref<256x64xf32, #tpu.memory_space<vmem>>, %arg7: memref<1x3x16x14x16x14xf32, #tpu.memory_space<vmem>>, %arg8: memref<1x1xf32, #tpu.memory_space<vmem>>, %arg9: memref<1x1xf32, #tpu.memory_space<vmem>>) attributes {dimension_semantics = [#tpu.dimension_semantics<arbitrary>], iteration_bounds = array<i64: 16>, scalar_prefetch = 0 : i64, scratch_operands = 0 : i64, tpu.core_type = #tpu.core_type<tc>, window_params = [{transform_indices = @transform_0, window_bounds = array<i64: 256, 64>}, {transform_indices = @transform_1, window_bounds = array<i64: 256, 128>}, {transform_indices = @transform_2, window_bounds = array<i64: 1, 256, 588>}, {pipeline_mode = #tpu.pipeline_mode<synchronous>, transform_indices = @transform_3, window_bounds = array<i64: 64, 588>}, {pipeline_mode = #tpu.pipeline_mode<synchronous>, transform_indices = @transform_4, window_bounds = array<i64: 1, 588>}, {transform_indices = @transform_5, window_bounds = array<i64: 256, 64>}, {transform_indices = @transform_6, window_bounds = array<i64: 1, 3, 16, 14, 16, 14>}, {pipeline_mode = #tpu.pipeline_mode<synchronous>, transform_indices = @transform_7, window_bounds = array<i64: 1, 1>}, {pipeline_mode = #tpu.pipeline_mode<synchronous>, transform_indices = @transform_8, window_bounds = array<i64: 1, 1>}]} {
    %get3A = arith.constant 0 : index
    %get3A_0 = arith.constant 0 : index
    %get3A_1 = vector.load %arg2[%get3A, %get3A_0] : memref<256x128xf32, #tpu.memory_space<vmem>>, vector<256x64xf32>
    %swap3A = arith.constant 0 : index
    %swap3A_2 = arith.constant 0 : index
    %swap3A_3 = vector.load %arg6[%swap3A, %swap3A_2] : memref<256x64xf32, #tpu.memory_space<vmem>>, vector<256x64xf32>
    tpu.vector_store %arg6[%swap3A, %swap3A_2], %get3A_1 {strides = array<i32>} : memref<256x64xf32, #tpu.memory_space<vmem>>, vector<256x64xf32>,
    %get3A_4 = arith.constant 0 : index
    %get3A_5 = arith.constant 0 : index
    %get3A_6 = vector.load %arg4[%get3A_4, %get3A_5] : memref<64x588xf32, #tpu.memory_space<vmem>>, vector<64x588xf32>
    %dot_general3A = arith.constant dense<0.000000e+00> : vector<256x588xf32>
    %dot_general3A_7 = tpu.matmul %get3A_1, %get3A_6, %dot_general3A {dimension_numbers = #tpu.dot_dimension_numbers<[1], [0], [0], [1], [0, 0, 1, 1], [], []>, transpose_lhs_hint = false} : vector<256x64xf32>, vector<64x588xf32>, vector<256x588xf32> -> vector<256x588xf32>
    %get3A_8 = arith.constant 0 : index
    %get3A_9 = arith.constant 0 : index
    %get3A_10 = vector.load %arg5[%get3A_8, %get3A_9] : memref<1x588xf32, #tpu.memory_space<vmem>>, vector<1x588xf32>
    %add3A = vector.broadcast %get3A_10 : vector<1x588xf32> to vector<256x588xf32>
    %add3A_11 = arith.addf %dot_general3A_7, %add3A : vector<256x588xf32>
    %reshape3A = vector.shape_cast %add3A_11 : vector<256x588xf32> to vector<16x16x3x14x14xf32>
    %transpose3A = tpu.transpose %reshape3A, [2, 0, 3, 1, 4] : vector<16x16x3x14x14xf32> -> vector<3x16x14x16x14xf32>
    %swap3A_12 = arith.constant 0 : index
    %swap3A_13 = arith.constant 0 : index
    %swap3A_14 = arith.constant 0 : index
    %swap3A_15 = arith.constant 0 : index
    %swap3A_16 = arith.constant 0 : index
    %swap3A_17 = arith.constant 0 : index
    %swap3A_18 = vector.load %arg7[%swap3A_12, %swap3A_13, %swap3A_14, %swap3A_15, %swap3A_16, %swap3A_17] : memref<1x3x16x14x16x14xf32, #tpu.memory_space<vmem>>, vector<1x3x16x14x16x14xf32>
    %swap3A_19 = vector.shape_cast %swap3A_18 : vector<1x3x16x14x16x14xf32> to vector<3x16x14x16x14xf32>
    %swap3A_20 = vector.shape_cast %transpose3A : vector<3x16x14x16x14xf32> to vector<1x3x16x14x16x14xf32>
    tpu.vector_store %arg7[%swap3A_12, %swap3A_13, %swap3A_14, %swap3A_15, %swap3A_16, %swap3A_17], %swap3A_20 {strides = array<i32>} : memref<1x3x16x14x16x14xf32, #tpu.memory_space<vmem>>, vector<1x3x16x14x16x14xf32>,
    %eq3A = arith.constant 0 : i32
    %eq3A_21 = arith.cmpi eq, %arg0, %eq3A : i32
    %convert_element_type3A = arith.extui %eq3A_21 : i1 to i32
    %cond3A = arith.constant 0 : i32
    %cond3A_22 = arith.cmpi ne, %convert_element_type3A, %cond3A : i32
    scf.if %cond3A_22 {
      %broadcast_in_dim3A = arith.constant 0.000000e+00 : f32
      %broadcast_in_dim3A_57 = vector.broadcast %broadcast_in_dim3A : f32 to vector<1x1xf32>
      %swap3A_58 = arith.constant 0 : index
      %swap3A_59 = arith.constant 0 : index
      %swap3A_60 = vector.load %arg8[%swap3A_58, %swap3A_59] : memref<1x1xf32, #tpu.memory_space<vmem>>, vector<1x1xf32>
      tpu.vector_store %arg8[%swap3A_58, %swap3A_59], %broadcast_in_dim3A_57 {strides = array<i32>} : memref<1x1xf32, #tpu.memory_space<vmem>>, vector<1x1xf32>,
      %broadcast_in_dim3A_61 = arith.constant 0.000000e+00 : f32
      %broadcast_in_dim3A_62 = vector.broadcast %broadcast_in_dim3A_61 : f32 to vector<1x1xf32>
      %swap3A_63 = arith.constant 0 : index
      %swap3A_64 = arith.constant 0 : index
      %swap3A_65 = vector.load %arg9[%swap3A_63, %swap3A_64] : memref<1x1xf32, #tpu.memory_space<vmem>>, vector<1x1xf32>
      tpu.vector_store %arg9[%swap3A_63, %swap3A_64], %broadcast_in_dim3A_62 {strides = array<i32>} : memref<1x1xf32, #tpu.memory_space<vmem>>, vector<1x1xf32>,
    } else {
    }
    %get3A_23 = arith.constant 0 : index
    %get3A_24 = arith.constant 0 : index
    %get3A_25 = vector.load %arg1[%get3A_23, %get3A_24] : memref<256x64xf32, #tpu.memory_space<vmem>>, vector<256x64xf32>
    %sub3A = arith.subf %get3A_25, %get3A_1 : vector<256x64xf32>
    %get3A_26 = arith.constant 0 : index
    %get3A_27 = arith.constant 0 : index
    %get3A_28 = vector.load %arg8[%get3A_26, %get3A_27] : memref<1x1xf32, #tpu.memory_space<vmem>>, vector<1x1xf32>
    %mul3A = arith.mulf %sub3A, %sub3A : vector<256x64xf32>
    %reduce_sum3A = vector.shape_cast %mul3A : vector<256x64xf32> to vector<1x256x64xf32>
    %reduce_sum3A_29 = arith.constant dense<0.000000e+00> : vector<1xf32>
    %reduce_sum3A_30 = vector.multi_reduction <add>, %reduce_sum3A, %reduce_sum3A_29 [1, 2] : vector<1x256x64xf32> to vector<1xf32>
    %reduce_sum3A_31 = vector.shape_cast %reduce_sum3A_30 : vector<1xf32> to vector<1x1x1xf32>
    %reduce_sum3A_32 = vector.extract %reduce_sum3A_31[0, 0, 0] : f32 from vector<1x1x1xf32>
    %reshape3A_33 = vector.broadcast %reduce_sum3A_32 : f32 to vector<1x1xf32>
    %add3A_34 = arith.addf %get3A_28, %reshape3A_33 : vector<1x1xf32>
    %swap3A_35 = arith.constant 0 : index
    %swap3A_36 = arith.constant 0 : index
    %swap3A_37 = vector.load %arg8[%swap3A_35, %swap3A_36] : memref<1x1xf32, #tpu.memory_space<vmem>>, vector<1x1xf32>
    tpu.vector_store %arg8[%swap3A_35, %swap3A_36], %add3A_34 {strides = array<i32>} : memref<1x1xf32, #tpu.memory_space<vmem>>, vector<1x1xf32>,
    %get3A_38 = arith.constant 0 : index
    %get3A_39 = arith.constant 0 : index
    %get3A_40 = vector.load %arg9[%get3A_38, %get3A_39] : memref<1x1xf32, #tpu.memory_space<vmem>>, vector<1x1xf32>
    %get3A_41 = arith.constant 0 : index
    %get3A_42 = arith.constant 0 : index
    %get3A_43 = arith.constant 0 : index
    %get3A_44 = vector.load %arg3[%get3A_41, %get3A_42, %get3A_43] : memref<1x256x588xf32, #tpu.memory_space<vmem>>, vector<1x256x588xf32>
    %get3A_45 = vector.shape_cast %get3A_44 : vector<1x256x588xf32> to vector<256x588xf32>
    %sub3A_46 = arith.subf %add3A_11, %get3A_45 : vector<256x588xf32>
    %abs3A = math.absf %sub3A_46 : vector<256x588xf32>
    %reduce_sum3A_47 = vector.shape_cast %abs3A : vector<256x588xf32> to vector<1x256x588xf32>
    %reduce_sum3A_48 = arith.constant dense<0.000000e+00> : vector<1xf32>
    %reduce_sum3A_49 = vector.multi_reduction <add>, %reduce_sum3A_47, %reduce_sum3A_48 [1, 2] : vector<1x256x588xf32> to vector<1xf32>
    %reduce_sum3A_50 = vector.shape_cast %reduce_sum3A_49 : vector<1xf32> to vector<1x1x1xf32>
    %reduce_sum3A_51 = vector.extract %reduce_sum3A_50[0, 0, 0] : f32 from vector<1x1x1xf32>
    %reshape3A_52 = vector.broadcast %reduce_sum3A_51 : f32 to vector<1x1xf32>
    %add3A_53 = arith.addf %get3A_40, %reshape3A_52 : vector<1x1xf32>
    %swap3A_54 = arith.constant 0 : index
    %swap3A_55 = arith.constant 0 : index
    %swap3A_56 = vector.load %arg9[%swap3A_54, %swap3A_55] : memref<1x1xf32, #tpu.memory_space<vmem>>, vector<1x1xf32>
    tpu.vector_store %arg9[%swap3A_54, %swap3A_55], %add3A_53 {strides = array<i32>} : memref<1x1xf32, #tpu.memory_space<vmem>>, vector<1x1xf32>,
    return
  }
  func.func @transform_0(%arg0: i32) -> (i32, i32) {
    %c0_i32 = arith.constant 0 : i32
    %c0_i32_0 = arith.constant 0 : i32
    return %arg0, %c0_i32 : i32, i32
  }
  func.func @transform_1(%arg0: i32) -> (i32, i32) {
    %c0_i32 = arith.constant 0 : i32
    %c0_i32_0 = arith.constant 0 : i32
    return %arg0, %c0_i32 : i32, i32
  }
  func.func @transform_2(%arg0: i32) -> (i32, i32, i32) {
    %c0_i32 = arith.constant 0 : i32
    %c0_i32_0 = arith.constant 0 : i32
    %c0_i32_1 = arith.constant 0 : i32
    return %arg0, %c0_i32, %c0_i32_0 : i32, i32, i32
  }
  func.func @transform_3(%arg0: i32) -> (i32, i32) {
    %c0_i32 = arith.constant 0 : i32
    %c0_i32_0 = arith.constant 0 : i32
    %c0_i32_1 = arith.constant 0 : i32
    return %c0_i32, %c0_i32_0 : i32, i32
  }
  func.func @transform_4(%arg0: i32) -> (i32, i32) {
    %c0_i32 = arith.constant 0 : i32
    %c0_i32_0 = arith.constant 0 : i32
    %c0_i32_1 = arith.constant 0 : i32
    return %c0_i32, %c0_i32_0 : i32, i32
  }
  func.func @transform_5(%arg0: i32) -> (i32, i32) {
    %c0_i32 = arith.constant 0 : i32
    %c0_i32_0 = arith.constant 0 : i32
    return %arg0, %c0_i32 : i32, i32
  }
  func.func @transform_6(%arg0: i32) -> (i32, i32, i32, i32, i32, i32) {
    %c0_i32 = arith.constant 0 : i32
    %c0_i32_0 = arith.constant 0 : i32
    %c0_i32_1 = arith.constant 0 : i32
    %c0_i32_2 = arith.constant 0 : i32
    %c0_i32_3 = arith.constant 0 : i32
    %c0_i32_4 = arith.constant 0 : i32
    return %arg0, %c0_i32, %c0_i32_0, %c0_i32_1, %c0_i32_2, %c0_i32_3 : i32, i32, i32, i32, i32, i32
  }
  func.func @transform_7(%arg0: i32) -> (i32, i32) {
    %c0_i32 = arith.constant 0 : i32
    %c0_i32_0 = arith.constant 0 : i32
    %c0_i32_1 = arith.constant 0 : i32
    return %c0_i32, %c0_i32_0 : i32, i32
  }
  func.func @transform_8(%arg0: i32) -> (i32, i32) {
    %c0_i32 = arith.constant 0 : i32
    %c0_i32_0 = arith.constant 0 : i32
    %c0_i32_1 = arith.constant 0 : i32
    return %c0_i32, %c0_i32_0 : i32, i32
  }
}

</mosaic_0001>

<sc_bundles>
// kernel: kernel.6.cloned.1.call-start
scs
__scs_entry_jumppad:
0x0: {  	(pc) =	sbr.rel $0x88, $3  }
0x1: {  	(tag) =	ssettag $0x0;
	lr =	simm.s32 $0x1  }
0x2: {  	[smem:$0x3F9A] =	sst lr;
	_ =	strace $0xD0000000  }
0x3: {  	_ = 	snop  }
0x4: {  	_ = 	snop  }
0x5: {  	_ = 	snop  }
0x6: {  	_ = 	snop  }
0x7: {  	_ = 	snop  }
__scs_overlays_trampoline_lowered:
0x8: {  	[smem:$0x3FA9] =	sst s0  }
0x9: {  	[smem:$0x3FAA] =	sst s1  }
0xa: {  	[smem:$0x3FAB] =	sst s2  }
0xb: {  	[smem:$0x3FAC] =	sst s3  }
0xc: {  	[smem:$0x3FAD] =	sst s4  }
0xd: {  	[smem:$0x3FAE] =	sst s5  }
0xe: {  	[smem:$0x3FAF] =	sst s6  }
0xf: {  	[smem:$0x3FB0] =	sst s7  }
0x10: {  	[smem:$0x3FB1] =	sst s8  }
0x11: {  	[smem:$0x3FB2] =	sst s9;
	s0 =	simm.s32 @!p0 $0x0  }
0x12: {  	s1 =	sld [smem:$0x3F98];
	s0 =	simm.s32 @p0 $0x1  }
0x13: {  	[smem:$0x3FB3] =	sst s0;
	s0 =	simm.s32 @!p1 $0x0  }
0x14: {  	s2 =	sld [smem:$0x3F97];
	s0 =	simm.s32 @p1 $0x1  }
0x15: {  	[smem:$0x3FB4] =	sst s0;
	s0 =	simm.s32 @!p2 $0x0  }
0x16: {  	s3 =	sld [smem:$0x3FDB];
	s0 =	simm.s32 @p2 $0x1  }
0x17: {  	s4 =	simm.s32 $0x1BF5;
	[smem:$0x3FB6] =	sst s0  }
0x18: {  	s0 =	sld [smem:$0x3F99];
	_ =	swait.ge [sflag:s4], $0x0  }
0x19: {  	s7 =	sld [smem:$0x3F9A]  }
0x1a: {  	s8 =	sadd.s32 $0xFFFFE003, lr  }
0x1b: {  	s9 =	sadd.s32 $0xFFFFFEF7, lr;
	s5 =	simm.s32 $0xFFFFFFFF;
	p2 =	slt.u32 s8, $0xFFFFF086  }
0x1c: {  	p1 =	slt.u32 s9, $0xF7A;
	s5 =	simm.s32 @!p2 $0x0  }
0x1d: {  	s5 =	simm.s32 @p1 $0x1;
	p0 =	seq.s32 s7, s2  }
0x1e: {  	s7 =	smul.u32 @!p0 $0xF7A, s2;
	p2 =	seq.s32 @!p0 s5, $0x0  }
0x1f: {  	s9 =	smul.u32 $0xF7A, s1;
	s8 =	simm.s32 @!p0 $0x1BF5;
	p2 =	por !p2, p0  }
0x20: {  	[sflag:s8] =	ssyncset.s32 @!p0 $0xFFFFF086;
	s6 =	sadd.s32 @!p0 s3, s7;
	s7 =	simm.s32 @!p0 $0x108  }
0x21: {  	s3 =	sadd.s32 s3, s9;
	s6 =	sadd.s32 @!p0 $0x88, s6;
	s7 =	simm.s32 @p2 $0x1082  }
0x22: {  	[simem:s7], [sflag:s8] =	dma.local @!p0 [hbm:s6], $0xF7A  }
0x23: {  	s9 =	sor.u32 $0xD0000000, s2;
	s6 =	simm.s32 $0x108;
	_ =	swait.ge @!p0 [sflag:s8], $0x0  }
0x24: {  	s3 =	sadd.s32 $0x88, s3;
	s6 =	simm.s32 @!p1 $0x1082;
	[sflag:s4] =	ssyncset.s32 $0xFFFFF086  }
0x25: {  	[simem:s6], [sflag:s4] =	dma.local [hbm:s3], $0xF7A  }
0x26: {  	[smem:$0x3F9A] =	sst s1;
	(tag) =	ssettag s2;
	_ =	strace s9  }
0x27: {  	s1 =	sld [smem:$0x3FAA]  }
0x28: {  	s2 =	sld [smem:$0x3FAB]  }
0x29: {  	s4 =	sld [smem:$0x3FAD]  }
0x2a: {  	p0 =	seq.s32 s5, $0x0;
	s5 =	sld [smem:$0x3FAE]  }
0x2b: {  	s6 =	sld [smem:$0x3FAF]  }
0x2c: {  	s7 =	sld [smem:$0x3FB0]  }
0x2d: {  	s3 =	simm.s32 $0x108;
	s8 =	sld [smem:$0x3FB1]  }
0x2e: {  	s3 =	simm.s32 @!p0 $0x1082;
	s9 =	sld [smem:$0x3FB2]  }
0x2f: {  	lr =	sadd.s32 s0, s3;
	s0 =	sld [smem:$0x3FA9]  }
0x30: {  	s3 =	sld [smem:$0x3FAC]  }
0x31: {  	[smem:$0x3FB5] =	sst s10  }
0x32: {  	s10 =	sld [smem:$0x3FB3];
	_ =	sdelay $0x3  }
0x33: {  	p0 =	seq.s32 s10, $0x1;
	s10 =	sld [smem:$0x3FB5];
	_ =	sdelay $0x3  }
0x34: {  	[smem:$0x3FB5] =	sst s10  }
0x35: {  	s10 =	sld [smem:$0x3FB4];
	_ =	sdelay $0x3  }
0x36: {  	p1 =	seq.s32 s10, $0x1;
	s10 =	sld [smem:$0x3FB5];
	_ =	sdelay $0x3  }
0x37: {  	[smem:$0x3FB5] =	sst s10  }
0x38: {  	s10 =	sld [smem:$0x3FB6]  }
0x39: {  	_ = 	snop;
	(pc) =	sbr.ind lr, $3  }
0x3a: {  	_ = 	snop  }
0x3b: {  	_ = 	snop  }
0x3c: {  	p2 =	seq.s32 s10, $0x1;
	s10 =	sld [smem:$0x3FB5]  }
0x3d: {  	_ =	shalt  }
0x3e: {  	_ =	shalt  }
0x3f: {  	_ =	shalt  }
0x40: {  	_ =	shalt  }
0x41: {  	_ =	shalt  }
0x42: {  	_ =	shalt  }
0x43: {  	_ =	shalt  }
0x44: {  	_ =	shalt  }
0x45: {  	_ =	shalt  }
0x46: {  	_ =	shalt  }
0x47: {  	_ =	shalt  }
0x48: {  	_ =	shalt  }
0x49: {  	_ =	shalt  }
0x4a: {  	_ =	shalt  }
0x4b: {  	_ =	shalt  }
0x4c: {  	_ =	shalt  }
0x4d: {  	_ =	shalt  }
0x4e: {  	_ =	shalt  }
0x4f: {  	_ =	shalt  }
0x50: {  	_ =	shalt  }
0x51: {  	_ =	shalt  }
0x52: {  	_ =	shalt  }
0x53: {  	_ =	shalt  }
0x54: {  	_ =	shalt  }
0x55: {  	_ =	shalt  }
0x56: {  	_ =	shalt  }
0x57: {  	_ =	shalt  }
0x58: {  	_ =	shalt  }
0x59: {  	_ =	shalt  }
0x5a: {  	_ =	shalt  }
0x5b: {  	_ =	shalt  }
0x5c: {  	_ =	shalt  }
0x5d: {  	_ =	shalt  }
0x5e: {  	_ =	shalt  }
0x5f: {  	_ =	shalt  }
0x60: {  	_ =	shalt  }
0x61: {  	_ =	shalt  }
0x62: {  	_ =	shalt  }
0x63: {  	_ =	shalt  }
0x64: {  	_ =	shalt  }
0x65: {  	_ =	shalt  }
0x66: {  	_ =	shalt  }
0x67: {  	_ =	shalt  }
0x68: {  	_ =	shalt  }
0x69: {  	_ =	shalt  }
0x6a: {  	_ =	shalt  }
0x6b: {  	_ =	shalt  }
0x6c: {  	_ =	shalt  }
0x6d: {  	_ =	shalt  }
0x6e: {  	_ =	shalt  }
0x6f: {  	_ =	shalt  }
0x70: {  	_ =	shalt  }
0x71: {  	_ =	shalt  }
0x72: {  	_ =	shalt  }
0x73: {  	_ =	shalt  }
0x74: {  	_ =	shalt  }
0x75: {  	_ =	shalt  }
0x76: {  	_ =	shalt  }
0x77: {  	_ =	shalt  }
0x78: {  	_ =	shalt  }
0x79: {  	_ =	shalt  }
0x7a: {  	_ =	shalt  }
0x7b: {  	_ =	shalt  }
0x7c: {  	_ =	shalt  }
0x7d: {  	_ =	shalt  }
0x7e: {  	_ =	shalt  }
0x7f: {  	_ =	shalt  }
0x80: {  	_ =	shalt  }
0x81: {  	_ =	shalt  }
0x82: {  	_ =	shalt  }
0x83: {  	_ =	shalt  }
0x84: {  	_ =	shalt  }
0x85: {  	_ =	shalt  }
0x86: {  	_ =	shalt  }
0x87: {  	_ =	shalt  }
.Lfunc_end0:
.L_simem_size_0:
called_computation_lowered:
.L_overlay_start_0:
0x88: {  	s2 =	sld [smem:$0x3FD9]  }
0x89: {  	s3 =	sld [smem:$0x3FFE];
	_ =	sdelay $0x1  }
0x8a: {  	s1 =	srdreg.scid  }
0x8b: {  	s0 =	sand.u32 $0x1, s1  }
0x8c: {  	s14 =	sshll.u32 s0, $0xA;
	s2 =	sadd.s32 s3, s2  }
0x8d: {  	s2 =	sadd.s32 s2, s14  }
0x8e: {  	[smem:$0x3FC1] =	sst s2  }
0x8f: {  	_ = 	snop  }
0x90: {  	s2 =	sld [smem:$0x3FD0];
	_ =	sdelay $0x2  }
0x91: {  	s15 =	simm.s32 $0xA;
	s4 =	simm.s32 $0x10  }
0x92: {  	[smem:s4], [sflag:s15] =	dma.local [hbm:s2], $0x1  }
0x93: {  	_ =	swait.eq [sflag:s15], $0x1  }
0x94: {  	[sflag:s15] =	ssyncset.done $0x0  }
0x95: {  	[sflag:s15] =	ssyncadd.s32 $0xFFFFFFFF  }
0x96: {  	s16 =	sld [smem:$0x14];
	(tm) =	ssettm $0x1  }
0x97: {  	s17 =	sld [smem:$0x3FFB];
	_ =	sdelay $0x3  }
0x98: {  	_ =	strace s17  }
0x99: {  	s3 =	sld [smem:$0x3FFC];
	_ =	sdelay $0x3  }
0x9a: {  	_ =	strace s3  }
0x9b: {  	s3 =	sld [smem:$0x3FFD];
	_ =	sdelay $0x3  }
0x9c: {  	_ =	strace s3  }
0x9d: {  	_ =	strace $0x8FFFFFFF  }
0x9e: {  	s18 =	sld [smem:$0x3FDB];
	_ =	sdelay $0x1  }
0x9f: {  	s19 =	simm.s32 $_scs_section_size  }
0xa0: {  	s5 =	simm.s32 $_size__tile_overlayer_lowered;
	s6 =	simm.s32 $_tile_overlayer_lowered  }
0xa1: {  	s22 =	simm.s32 $0x1BFF;
	s21 =	sshll.u32 s6, $0x1;
	s3 =	sadd.s32 s19, s18  }
0xa2: {  	s7 =	simm.s32 $0x0;
	s20 =	sshll.u32 s5, $0x1;
	s5 =	sadd.s32 s21, s3  }
0xa3: {  	[timem:s7], [sflag:s22] =	dma.local [hbm:s5], s20  }
0xa4: {  	_ =	swait.ge [sflag:s22], s20  }
0xa5: {  	s4 =	ssub.s32 $0x0, s20;
	[sflag:s22] =	ssyncset.done $0x0  }
0xa6: {  	[sflag:s22] =	ssyncadd.s32 s4;
	_ =	sdelay $0x1  }
0xa7: {  	s23 =	simm.s32 $0x1B8B  }
0xa8: {  	_ =	swait.ge [sflag:s23], $0x1  }
0xa9: {  	[sflag:s23] =	ssyncset.done $0x0  }
0xaa: {  	s25 =	simm.s32 $0x1B8E;
	s24 =	sld [smem:$0x3FFE];
	[sflag:s23] =	ssyncadd.s32 $0xFFFFFFFF  }
0xab: {  	s26 =	simm.s32 $execute0_lowered;
	[smem:$0x3FD2] =	sst s25  }
0xac: {  	s5 =	sshll.u32 s26, $0x1;
	_ =	strace $0x80000046;
	[dreg:$0x1] =	wrdreg $0xFFFFFFFF  }
0xad: {  	s28 =	simm.s32 $_size_execute0_lowered;
	s3 =	sadd.s32 s3, s5;
	[dreg:$0x0] =	wrdreg $0x0  }
0xae: {  	s5 =	sshll.u32 s28, $0x1;
	[dreg:$0x2] =	wrdreg s3  }
0xaf: {  	[dreg:$0x3] =	wrdreg s5  }
0xb0: {  	[dreg:$0x4] =	wrdreg $0xC0  }
0xb1: {  	_ =	task [dreg:s7], $0x5FFFF  }
0xb2: {  	[dreg:$0x1] =	wrdreg $0xFFFFFFFF  }
0xb3: {  	[dreg:$0x0] =	wrdreg $0x60  }
0xb4: {  	[dreg:$0x2] =	wrdreg s24  }
0xb5: {  	[dreg:$0x3] =	wrdreg s16  }
0xb6: {  	[dreg:$0x4] =	wrdreg $0x9  }
0xb7: {  	_ =	task.clear_ibuf [dreg:s7], $0x5FFFF;
	_ =	strace $0x90000046  }
0xb8: {  	s29 =	simm.s32 $0x9;
	_ =	strace $0x8000004D  }
0xb9: {  	_ =	swait.ge [sflag:s29], $0x1  }
0xba: {  	[sflag:s29] =	ssyncadd.s32 $0xFFFFFFFF  }
0xbb: {  	_ =	strace $0x9000004D  }
0xbc: {  	_ =	sfence  }
0xbd: {  	s30 =	sld [smem:$0x0];
	_ =	sdelay $0x2  }
0xbe: {  	s31 =	sshll.u32 s1, $0xD;
	s1 =	sshrl.u32 s1, $0x2  }
0xbf: {  	s3 =	sand.u32 $0x4000, s31;
	s1 =	sadd.s32 s1, s30  }
0xc0: {  	s0 =	sor.u32 s3, s0;
	s1 =	sshll.u32 s1, $0x11  }
0xc1: {  	s0 =	sor.u32 s1, s0  }
0xc2: {  	s0 =	sadd.s32 $0x8F2B, s0  }
0xc3: {  	[sflag:s0] =	ssyncadd.remote.s32 $0x1  }
0xc4: {  	_ =	sfence.sel $0xFFFF  }
0xc5: {  	[dreg:$0x0] =	wrdreg $0xFFFFFFFF;
	(pc) =	sbr.abs _section_cstart, $3  }
0xc6: {  	[dreg:$0x1] =	wrdreg $0xFFFFFFFF  }
0xc7: {  	_ =	task.clear_ibuf [dreg:s7], $0x2FFFF;
	_ =	strace $0x9FFFFFFF  }
0xc8: {  	(tm) =	ssettm $0x7FFFFFFF  }
0xc9: {  	_ =	shalt  }
tec
execute0_lowered:
.L_overlay_start_1:
0x0: {  	(tag) =	ssettag $0x1  }
0x1: {  	s9 =	rddreg [dreg:$0x0];
	s2 =	srdreg.scid  }
0x2: {  	s3 =	rddreg [dreg:$0x1];
	s1 =	stileid.u32;
	s10 =	sand.u32 $0x1, s2  }
0x3: {  	s2 =	simm.s32 $0x0;
	s5 =	sshll.u32 s1, $0x7;
	s4 =	sshll.u32 s10, $0xB  }
0x4: {  	[smem:$0x7FF] =	sst s2;
	s11 =	sor.u32 s5, s4  }
0x5: {  	s0 =	rddreg [dreg:$0x2];
	_ =	strace $0x80000047;
	s4 =	sshrl.u32 s11, $0x3  }
0x6: {  	_ =	strace $0x80000048;
	s3 =	sadd.s32 s3, s4  }
0x7: {  	[tilespmem:s2], [sflag:$0x1] =	stream.linear.gather [hbm4b:s3+s2], $0x80, $0x200038;
	[tilespmem:$0x8100] =	vst v63  }
0x8: {  	_ =	strace $0x90000048  }
0x9: {  	s4 =	simm.s32 $0x1;
	_ =	strace $0x80000049  }
0xa: {  	_ =	swait.ge [sflag:s4], $0x80  }
0xb: {  	[sflag:s4] =	ssyncset.done $0x0  }
0xc: {  	[sflag:s4] =	ssyncadd.s32 $0xFFFFFF80  }
0xd: {  	s6 =	simm.s32 $0x80;
	s7 =	simm.s32 $0x100;
	_ =	strace $0x90000049  }
0xe: {  	s8 =	simm.s32 $0x5;
	s5 =	sadd.s32 $0x1600, s9;
	_ =	strace $0x8000004A  }
0xf: {  	[tilespmem:s7], [sflag:$0x5] =	stream.indirect.gather [hbm4b:s5+s6], $0x80, s2, s6, $0x2000b8;
	[tilespmem:$0x8100] =	vst v63  }
0x10: {  	s10 =	ssub.s32 $0x2, s10;
	_ =	swait.ge [sflag:s8], $0x4000  }
0x11: {  	s31 =	sshrl.u32 s10, $0x1;
	s11 =	sshll.u32 s11, $0x4;
	[sflag:s8] =	ssyncset.done $0x0  }
0x12: {  	s9 =	sadd.s32 s11, s9;
	s11 =	ssub.s32 s10, s31;
	[sflag:s8] =	ssyncadd.s32 $0xFFFFC000  }
0x13: {  	s11 =	smax.u32 s11, $0x1;
	_ =	strace $0x9000004A  }
0x14: {  	s9 =	sadd.s32 $0x21600, s9;
	p0 =	sne.s32 s11, $0x1;
	_ =	strace $0x8000004B  }
0x15: {  	[hbm4b:s9+s2] =	stream.linear.scatter [tilespmem:s7], [sflag:$0x3], $0x4000, $0x200038;
	[tilespmem:$0x8100] =	vst v63  }
.Ltmp0:
0x16: {  	_ =	strace $0x9000004B;
	(pc) =	sbr.rel @!p0 .LBB2_2-.Ltmp0, $4  }
0x17: {  	s10 =	simm.s32 $0x3;
	_ =	strace $0x8000004C  }
0x18: {  	_ =	swait.ge [sflag:s10], $0x4000  }
0x19: {  	[sflag:s10] =	ssyncset.done $0x0  }
0x1a: {  	s11 =	sadd.s32 $0xFFFFFFFF, s11;
	[sflag:s10] =	ssyncadd.s32 $0xFFFFC000  }
.LBB2_1:
0x1b: {  	p0 =	sne.s32 s11, $0x1;
	s11 =	sadd.s32 $0xFFFFFFFF, s11;
	_ =	strace $0x9000004C  }
0x1c: {  	_ =	strace $0x80000048  }
0x1d: {  	[tilespmem:s2], [sflag:$0x1] =	stream.linear.gather [hbm4b:s3+s2], $0x80, $0x200038;
	[tilespmem:$0x8100] =	vst v63  }
0x1e: {  	_ =	strace $0x90000048  }
0x1f: {  	_ =	strace $0x80000049  }
0x20: {  	_ =	swait.ge [sflag:s4], $0x80  }
0x21: {  	[sflag:s4] =	ssyncset.done $0x0  }
0x22: {  	[sflag:s4] =	ssyncadd.s32 $0xFFFFFF80  }
0x23: {  	_ =	strace $0x90000049  }
0x24: {  	_ =	strace $0x8000004A  }
0x25: {  	[tilespmem:s7], [sflag:$0x5] =	stream.indirect.gather [hbm4b:s5+s6], $0x80, s2, s6, $0x2000b8;
	[tilespmem:$0x8100] =	vst v63  }
0x26: {  	_ =	swait.ge [sflag:s8], $0x4000  }
0x27: {  	[sflag:s8] =	ssyncset.done $0x0  }
0x28: {  	[sflag:s8] =	ssyncadd.s32 $0xFFFFC000  }
0x29: {  	_ =	strace $0x9000004A  }
0x2a: {  	_ =	strace $0x8000004B  }
0x2b: {  	[hbm4b:s9+s2] =	stream.linear.scatter [tilespmem:s7], [sflag:$0x3], $0x4000, $0x200038;
	[tilespmem:$0x8100] =	vst v63  }
.Ltmp1:
0x2c: {  	_ =	strace $0x9000004B;
	(pc) =	sbr.rel @p0 .LBB2_1-.Ltmp1, $4  }
0x2d: {  	_ =	strace $0x8000004C  }
0x2e: {  	_ =	swait.ge [sflag:s10], $0x4000  }
0x2f: {  	[sflag:s10] =	ssyncset.done $0x0  }
0x30: {  	[sflag:s10] =	ssyncadd.s32 $0xFFFFC000  }
.LBB2_2:
0x31: {  	_ =	strace $0x9000004C  }
0x32: {  	_ =	sfence.sel $0x180000  }
0x33: {  	[bflag:$0x0] =	sbarrier.arrive $0xFFFF  }
0x34: {  	p0 =	sne.s32 s1, $0x0;
	_ =	strace $0x90000047  }
0x35: {  	s0 =	sadd.s32 @!p0 $0x100000, s0;
	[bflag:$0x2] =	sbarrier.arrive $0xFFFF  }
0x36: {  	[sflag:s0] =	ssyncadd.tile.s32 @!p0 $0x1;
	_ =	shalt  }
.Lfunc_end2:
_tile_overlayer_lowered:
.L_overlay_start_2:
0x37: {  	(tag) =	ssettag $0x2  }
0x38: {  	s0 =	rddreg [dreg:$0x0];
	s2 =	stileid.u32  }
0x39: {  	s1 =	rddreg [dreg:$0x1];
	p0 =	sne.s32 s2, $0x0  }
0x3a: {  	s3 =	rddreg [dreg:$0x2];
	[bflag:$0x3] =	sbarrier.arrive $0xFFFF;
	s2 =	simm.s32 @!p0 $0x1C01  }
0x3b: {  	[timem:s3], [sflag:s2] =	dma.local @!p0 [hbm:s0], s1  }
0x3c: {  	s0 =	simm.s32 @!p0 $0x1  }
0x3d: {  	_ =	swait.ge @!p0 [sflag:s0], s1  }
0x3e: {  	s1 =	ssub.s32 @!p0 $0x0, s1;
	[sflag:s0] =	ssyncset.done @!p0 $0x0  }
0x3f: {  	[sflag:s0] =	ssyncadd.s32 @!p0 s1  }
0x40: {  	[bflag:$0x3] =	sbarrier.arrive $0xFFFF  }
0x41: {  	_ =	shalt  }

</sc_bundles>
